<compile_context>
chip_gen: v7x
topology: tpu7x:2x2x1
jax: 0.10.2.dev20260603
libtpu: 0.0.44.dev20260713+nightly
codegen_flags: <defaults>
</compile_context>

<pallas_src>
import functools

import jax
import jax.numpy as jnp
from jax import lax
from jax.experimental import pallas as pl
from jax.experimental.pallas import tpu as pltpu
from jax.experimental.pallas import tpu_sc as plsc

NEMB = 8192
DIM = 32
RB = 2048
CB = 1024
NRB = NEMB // RB
NCB = NEMB // CB

_NC = 2
_NS = 16
_L = 16
_NW = _NC * _NS
_BPW = NEMB // _NW
_ICH = 128
_NCHUNK = _BPW // _ICH

MM_PRECISION = lax.Precision.DEFAULT


def _dist_body(x_ref, emb_ref, idx_ref, embn_ref, crow_ref):
    pid = pl.program_id(0)

    @pl.when(pid == 0)
    def _prep():
        emb = emb_ref[...]
        nrm = jnp.sqrt(jnp.sum(emb * emb, axis=1, keepdims=True))
        emb_n = emb / (nrm + 1e-4)
        embn_ref[...] = emb_n
        crow_ref[...] = lax.dot_general(
            jnp.ones((1, DIM), jnp.float32), emb_n * emb_n,
            (((1,), (1,)), ((), ())),
            preferred_element_type=jnp.float32,
            precision=lax.Precision.HIGHEST)

    x = x_ref[...]
    x2 = jnp.sum(x * x, axis=1, keepdims=True)

    best_val = jnp.full((RB, 1), jnp.inf, dtype=jnp.float32)
    best_idx = jnp.zeros((RB, 1), dtype=jnp.int32)
    for k in range(NCB):
        e_chunk = embn_ref[k * CB:(k + 1) * CB, :]
        mm = lax.dot_general(x, e_chunk, (((1,), (1,)), ((), ())),
                             preferred_element_type=jnp.float32,
                             precision=MM_PRECISION)
        d = (crow_ref[0:1, k * CB:(k + 1) * CB] + x2) - 2.0 * mm
        m = jnp.min(d, axis=1, keepdims=True)
        col = lax.broadcasted_iota(jnp.int32, (RB, CB), 1)
        idx = jnp.min(jnp.where(d == m, col, NEMB), axis=1,
                      keepdims=True) + k * CB
        upd = m < best_val
        best_val = jnp.where(upd, m, best_val)
        best_idx = jnp.where(upd, idx, best_idx)

    idx_ref[...] = best_idx


def _dist(x_flat, embedding):
    nrows = x_flat.shape[0]
    return pl.pallas_call(
        _dist_body,
        grid=(nrows // RB,),
        in_specs=[
            pl.BlockSpec((RB, DIM), lambda i: (i, 0)),
            pl.BlockSpec((NEMB, DIM), lambda i: (0, 0)),
        ],
        out_specs=pl.BlockSpec((RB, 1), lambda i: (i, 0)),
        out_shape=jax.ShapeDtypeStruct((nrows, 1), jnp.int32),
        scratch_shapes=[
            pltpu.VMEM((NEMB, DIM), jnp.float32),
            pltpu.VMEM((1, NEMB), jnp.float32),
        ],
        compiler_params=pltpu.CompilerParams(
            dimension_semantics=("arbitrary",)),
    )(x_flat, embedding)


DPAD = 128


def _sc_gather_hist(emb_pad, idx3d):
    nchunk = idx3d.shape[1]
    bpw = nchunk * _ICH
    nrows = _NW * bpw
    mesh = plsc.VectorSubcoreMesh(core_axis_name="c", subcore_axis_name="s")

    @functools.partial(
        pl.kernel,
        mesh=mesh,
        out_type=[
            jax.ShapeDtypeStruct((nrows, DPAD), jnp.float32),
            jax.ShapeDtypeStruct((NEMB,), jnp.float32),
            jax.ShapeDtypeStruct((NEMB,), jnp.float32),
        ],
        scratch_types=[
            pltpu.VMEM((nchunk, _ICH), jnp.int32),
            pltpu.VMEM((bpw, DPAD), jnp.float32),
            pltpu.VMEM((_ICH,), jnp.float32),
            pltpu.VMEM((NEMB,), jnp.float32),
            pltpu.VMEM_SHARED((NEMB,), jnp.float32),
            pltpu.SemaphoreType.DMA,
        ],
    )
    def k(emb_hbm, idx_hbm, q_hbm, hist0_hbm, hist1_hbm,
          idx_v, rows_v, ones_v, stage_v, sh_hist, sem):
        cc = lax.axis_index("c")
        ss = lax.axis_index("s")
        wid = ss * _NC + cc
        pltpu.sync_copy(idx_hbm.at[wid], idx_v)
        for j in range(nchunk):
            pltpu.async_copy(emb_hbm.at[idx_v.at[j]],
                             rows_v.at[pl.ds(j * _ICH, _ICH)], sem).wait()
        pltpu.sync_copy(rows_v, q_hbm.at[pl.ds(wid * bpw, bpw)])

        def _ones(i, carry):
            ones_v[pl.ds(i * _L, _L)] = jnp.ones((_L,), jnp.float32)
            return carry

        lax.fori_loop(0, _ICH // _L, _ones, 0)

        @pl.when(ss == 0)
        def _zero():
            def _zb(i, carry):
                stage_v[pl.ds(i * _L, _L)] = jnp.zeros((_L,), jnp.float32)
                return carry

            lax.fori_loop(0, NEMB // _L, _zb, 0)
            pltpu.sync_copy(stage_v, sh_hist)

        plsc.subcore_barrier()
        for j in range(nchunk):
            pltpu.sync_copy(ones_v, sh_hist.at[idx_v.at[j]], add=True)
        plsc.subcore_barrier()

        @pl.when(ss == 0)
        def _writeback():
            pltpu.sync_copy(sh_hist, stage_v)

            @pl.when(cc == 0)
            def _w0():
                pltpu.sync_copy(stage_v, hist0_hbm)

            @pl.when(cc == 1)
            def _w1():
                pltpu.sync_copy(stage_v, hist1_hbm)

    return k(emb_pad, idx3d)


HALF = NEMB // 2


def _fin_body(x_ref, qa_ref, qb_ref, ha0_ref, ha1_ref, hb0_ref, hb1_ref,
              q_ref, loss_ref, perp_ref):
    x = x_ref[...]
    qa = qa_ref[:, 0:DIM]
    qb = qb_ref[:, 0:DIM]
    q_ref[0:HALF, :] = qa
    q_ref[HALF:NEMB, :] = qb
    da = x[0:HALF, :] - qa
    db = x[HALF:NEMB, :] - qb
    loss_ref[0, 0] = (jnp.sum(da * da) + jnp.sum(db * db)) / (NEMB * DIM)
    h = (ha0_ref[...] + ha1_ref[...]) + (hb0_ref[...] + hb1_ref[...])
    p = h / float(NEMB)
    ent = jnp.sum(p * jnp.log(p + 1e-10))
    perp_ref[0, 0] = jnp.exp(-ent)


def _fin(x_flat, qa_pad, qb_pad, ha0, ha1, hb0, hb1):
    return pl.pallas_call(
        _fin_body,
        in_specs=[
            pl.BlockSpec((NEMB, DIM), lambda: (0, 0)),
            pl.BlockSpec((HALF, DPAD), lambda: (0, 0)),
            pl.BlockSpec((HALF, DPAD), lambda: (0, 0)),
            pl.BlockSpec((1, NEMB), lambda: (0, 0)),
            pl.BlockSpec((1, NEMB), lambda: (0, 0)),
            pl.BlockSpec((1, NEMB), lambda: (0, 0)),
            pl.BlockSpec((1, NEMB), lambda: (0, 0)),
        ],
        out_specs=[
            pl.BlockSpec((NEMB, DIM), lambda: (0, 0)),
            pl.BlockSpec(memory_space=pltpu.SMEM),
            pl.BlockSpec(memory_space=pltpu.SMEM),
        ],
        out_shape=[
            jax.ShapeDtypeStruct((NEMB, DIM), jnp.float32),
            jax.ShapeDtypeStruct((1, 1), jnp.float32),
            jax.ShapeDtypeStruct((1, 1), jnp.float32),
        ],
    )(x_flat, qa_pad, qb_pad, ha0, ha1, hb0, hb1)


def _fin1_body(x_ref, qp_ref, h0_ref, h1_ref, q_ref, loss_ref, perp_ref):
    x = x_ref[...]
    q = qp_ref[:, 0:DIM]
    q_ref[...] = q
    dd = x - q
    loss_ref[0, 0] = jnp.sum(dd * dd) / (NEMB * DIM)
    h = h0_ref[...] + h1_ref[...]
    p = h / float(NEMB)
    ent = jnp.sum(p * jnp.log(p + 1e-10))
    perp_ref[0, 0] = jnp.exp(-ent)


def _fin1(x_flat, q_pad, h0, h1):
    return pl.pallas_call(
        _fin1_body,
        in_specs=[
            pl.BlockSpec((NEMB, DIM), lambda: (0, 0)),
            pl.BlockSpec((NEMB, DPAD), lambda: (0, 0)),
            pl.BlockSpec((1, NEMB), lambda: (0, 0)),
            pl.BlockSpec((1, NEMB), lambda: (0, 0)),
        ],
        out_specs=[
            pl.BlockSpec((NEMB, DIM), lambda: (0, 0)),
            pl.BlockSpec(memory_space=pltpu.SMEM),
            pl.BlockSpec(memory_space=pltpu.SMEM),
        ],
        out_shape=[
            jax.ShapeDtypeStruct((NEMB, DIM), jnp.float32),
            jax.ShapeDtypeStruct((1, 1), jnp.float32),
            jax.ShapeDtypeStruct((1, 1), jnp.float32),
        ],
    )(x_flat, q_pad, h0, h1)


def kernel(x, embedding):
    x_flat = x.reshape(-1, DIM)
    emb_pad = jnp.pad(embedding, ((0, 0), (0, DPAD - DIM)))
    idx = _dist(x_flat, embedding)
    idx3d = idx.reshape(_NW, _NCHUNK, _ICH)
    q_pad, h0, h1 = _sc_gather_hist(emb_pad, idx3d)
    q, loss, perp = _fin1(x_flat, q_pad,
                          h0.reshape(1, NEMB), h1.reshape(1, NEMB))
    return q.reshape(x.shape), loss[0, 0], perp[0, 0]

# --- scband reference (transcript-rebuilt; emitter-appended) ---
"""Pipeline reference for scband-vqembedding-ema-84344567759308 (READ-ONLY COPY).

The authoritative reference and input builder live on the scoring server;
editing this copy changes nothing except your own understanding.
"""

import jax, jax.numpy as jnp
import numpy as np

N_EMB = 8192
EMB_DIM = 32


def setup_inputs(seed: int = 0) -> dict:
    key = jax.random.key(seed)
    k1, k2 = jax.random.split(key)
    x = jax.random.normal(k1, (8, 1024, 32), dtype=jnp.float32)
    init_bound = 1.0 / N_EMB
    emb = jax.random.uniform(k2, (N_EMB, EMB_DIM), minval=-init_bound, maxval=init_bound, dtype=jnp.float32)
    emb = emb / (jnp.linalg.norm(emb, axis=1, keepdims=True) + 0.0001)
    return {"x": x, "embedding": emb}


def reference(x, embedding):
    # L2_distance
    M, D = embedding.shape
    embedding_norm = embedding / (jnp.linalg.norm(embedding, axis=1, keepdims=True) + 0.0001)
    x_flat = jax.lax.stop_gradient(x).reshape(-1, D)
    distances = (jnp.sum(embedding_norm ** 2, axis=1)[None, :]
                 + jnp.sum(x_flat ** 2, axis=1, keepdims=True)
                 - 2.0 * (x_flat @ embedding_norm.T))
    indices = jax.lax.stop_gradient(jnp.argmin(distances.astype(jnp.float32), axis=-1))
    encodings = jax.nn.one_hot(indices, M, dtype=jnp.float32)
    quantized = jnp.take(embedding, indices, axis=0).reshape(x.shape)
    # forward
    commitment_loss = jnp.mean((jax.lax.stop_gradient(x) - quantized) ** 2)
    quantized_ = x + jax.lax.stop_gradient(quantized - x)
    quantized_ = (quantized_ + quantized) / 2.0
    avg_probs = jnp.mean(encodings, axis=0)
    perplexity = jnp.exp(-jnp.sum(avg_probs * jnp.log(avg_probs + 1e-10)))
    return quantized_, commitment_loss, perplexity

if __name__ == "__main__":
    import jax
    _d = setup_inputs()
    print(jax.jit(kernel)(*tuple(_d.values())))

</pallas_src>

<mosaic_0001>
#map = affine_map<(d0, d1) -> (0, 0)>
#map1 = affine_map<(d0, d1) -> (0, 0, 0)>
#map2 = affine_map<(d0, d1) -> (0)>
module attributes {stable_mosaic.version = 14 : i64} {
  func.func @k(%arg0: i32, %arg1: i32, %arg2: memref<8192x128xf32, #tpu.memory_space<hbm>>, %arg3: memref<32x2x128xi32, #tpu.memory_space<hbm>>, %arg4: memref<8192x128xf32, #tpu.memory_space<hbm>>, %arg5: memref<8192xf32, #tpu.memory_space<hbm>>, %arg6: memref<8192xf32, #tpu.memory_space<hbm>>, %arg7: memref<2x128xi32, #tpu.memory_space<vmem>>, %arg8: memref<256x128xf32, #tpu.memory_space<vmem>>, %arg9: memref<128xf32, #tpu.memory_space<vmem>>, %arg10: memref<8192xf32, #tpu.memory_space<vmem>>, %arg11: memref<8192xf32, #tpu.memory_space<vmem_shared>>, %arg12: memref<!tpu.dma_semaphore, #tpu.memory_space<semaphore_mem>>) attributes {dimension_semantics = [#tpu.dimension_semantics<core_parallel>, #tpu.dimension_semantics<subcore_parallel>], iteration_bounds = array<i64: 2, 16>, scalar_prefetch = 0 : i64, scratch_operands = 6 : i64, tpu.core_type = #tpu.core_type<sc_vector_subcore>, window_params = [{transform_indices = #map}, {transform_indices = #map1}, {transform_indices = #map}, {transform_indices = #map2}, {transform_indices = #map2}]} {
    %mul3A = arith.constant 2 : i32
    %mul3A_0 = arith.muli %arg1, %mul3A : i32
    %add3A = arith.addi %mul3A_0, %arg0 : i32
    "tpu.region"() ({
      %run_scoped3A_55 = tpu.sem_alloc : memref<!tpu.dma_semaphore, #tpu.memory_space<semaphore_mem>>
      %dma_start3A_56 = arith.constant 0 : i32
      %dma_start3A_57 = arith.constant 0 : i32
      %dma_start3A_58 = tpu.memref_slice %arg3[%add3A, %dma_start3A_56, %dma_start3A_57] : memref<32x2x128xi32, #tpu.memory_space<hbm>> -> memref<1x2x128xi32, #tpu.memory_space<hbm>>
      %dma_start3A_59 = tpu.memref_squeeze %dma_start3A_58 : memref<1x2x128xi32, #tpu.memory_space<hbm>> -> memref<2x128xi32, #tpu.memory_space<hbm>>
      %dma_start3A_60 = arith.constant 0 : i32
      %dma_start3A_61 = arith.constant 0 : i32
      %dma_start3A_62 = tpu.memref_slice %arg3[%add3A, %dma_start3A_60, %dma_start3A_61] : memref<32x2x128xi32, #tpu.memory_space<hbm>> -> memref<1x2x128xi32, #tpu.memory_space<hbm>>
      %dma_start3A_63 = tpu.memref_squeeze %dma_start3A_62 : memref<1x2x128xi32, #tpu.memory_space<hbm>> -> memref<2x128xi32, #tpu.memory_space<hbm>>
      tpu.enqueue_dma source(%dma_start3A_63 : memref<2x128xi32, #tpu.memory_space<hbm>>) target(%arg7 : memref<2x128xi32, #tpu.memory_space<vmem>>) target_semaphore(%run_scoped3A_55 : memref<!tpu.dma_semaphore, #tpu.memory_space<semaphore_mem>>)
      %dma_wait3A_64 = arith.constant 0 : i32
      %dma_wait3A_65 = arith.constant 0 : i32
      %dma_wait3A_66 = tpu.memref_slice %arg3[%add3A, %dma_wait3A_64, %dma_wait3A_65] : memref<32x2x128xi32, #tpu.memory_space<hbm>> -> memref<1x2x128xi32, #tpu.memory_space<hbm>>
      %dma_wait3A_67 = tpu.memref_squeeze %dma_wait3A_66 : memref<1x2x128xi32, #tpu.memory_space<hbm>> -> memref<2x128xi32, #tpu.memory_space<hbm>>
      %dma_wait3A_68 = arith.constant 0 : i32
      %dma_wait3A_69 = arith.constant 0 : i32
      %dma_wait3A_70 = tpu.memref_slice %arg3[%add3A, %dma_wait3A_68, %dma_wait3A_69] : memref<32x2x128xi32, #tpu.memory_space<hbm>> -> memref<1x2x128xi32, #tpu.memory_space<hbm>>
      %dma_wait3A_71 = tpu.memref_squeeze %dma_wait3A_70 : memref<1x2x128xi32, #tpu.memory_space<hbm>> -> memref<2x128xi32, #tpu.memory_space<hbm>>
      tpu.wait_dma2 semaphore(%run_scoped3A_55 : memref<!tpu.dma_semaphore, #tpu.memory_space<semaphore_mem>>) src(%dma_wait3A_71 : memref<2x128xi32, #tpu.memory_space<hbm>>) dst(%arg7 : memref<2x128xi32, #tpu.memory_space<vmem>>)
      tpu.yield
    }) : () -> ()
    %dma_start3A = arith.constant 0 : i32
    %dma_start3A_1 = arith.constant 0 : i32
    %dma_start3A_2 = arith.constant 0 : i32
    %dma_start3A_3 = tpu.memref_slice %arg8[%dma_start3A_1, %dma_start3A_2] : memref<256x128xf32, #tpu.memory_space<vmem>> -> memref<128x128xf32, #tpu.memory_space<vmem>>
    %dma_start3A_4 = arith.constant 0 : i32
    %dma_start3A_5 = tpu.memref_slice %arg7[%dma_start3A, %dma_start3A_4] : memref<2x128xi32, #tpu.memory_space<vmem>> -> memref<1x128xi32, #tpu.memory_space<vmem>>
    %dma_start3A_6 = tpu.memref_squeeze %dma_start3A_5 : memref<1x128xi32, #tpu.memory_space<vmem>> -> memref<128xi32, #tpu.memory_space<vmem>>
    %dma_start3A_7 = arith.constant 0 : i32
    %dma_start3A_8 = arith.constant 0 : i32
    %dma_start3A_9 = tpu.memref_slice %arg2[%dma_start3A_7, %dma_start3A_8] : memref<8192x128xf32, #tpu.memory_space<hbm>> -> memref<8192x128xf32, #tpu.memory_space<hbm>>
    tpu.enqueue_indirect_dma source(%dma_start3A_9 : memref<8192x128xf32, #tpu.memory_space<hbm>>) target(%dma_start3A_3 : memref<128x128xf32, #tpu.memory_space<vmem>>) offsets(%dma_start3A_6 : memref<128xi32, #tpu.memory_space<vmem>>) semaphore(%arg12 : memref<!tpu.dma_semaphore, #tpu.memory_space<semaphore_mem>>)
    %dma_wait3A = arith.constant 0 : i32
    %dma_wait3A_10 = arith.constant 0 : i32
    %dma_wait3A_11 = arith.constant 0 : i32
    %dma_wait3A_12 = tpu.memref_slice %arg8[%dma_wait3A_10, %dma_wait3A_11] : memref<256x128xf32, #tpu.memory_space<vmem>> -> memref<128x128xf32, #tpu.memory_space<vmem>>
    %dma_wait3A_13 = arith.constant 0 : i32
    %dma_wait3A_14 = tpu.memref_slice %arg7[%dma_wait3A, %dma_wait3A_13] : memref<2x128xi32, #tpu.memory_space<vmem>> -> memref<1x128xi32, #tpu.memory_space<vmem>>
    %dma_wait3A_15 = tpu.memref_squeeze %dma_wait3A_14 : memref<1x128xi32, #tpu.memory_space<vmem>> -> memref<128xi32, #tpu.memory_space<vmem>>
    %dma_wait3A_16 = arith.constant 0 : i32
    %dma_wait3A_17 = arith.constant 0 : i32
    %dma_wait3A_18 = tpu.memref_slice %arg2[%dma_wait3A_16, %dma_wait3A_17] : memref<8192x128xf32, #tpu.memory_space<hbm>> -> memref<8192x128xf32, #tpu.memory_space<hbm>>
    tpu.wait_indirect_dma semaphore(%arg12 : memref<!tpu.dma_semaphore, #tpu.memory_space<semaphore_mem>>) src(%dma_wait3A_18 : memref<8192x128xf32, #tpu.memory_space<hbm>>) dst(%dma_wait3A_12 : memref<128x128xf32, #tpu.memory_space<vmem>>)
    %dma_start3A_19 = arith.constant 1 : i32
    %dma_start3A_20 = arith.constant 128 : i32
    %dma_start3A_21 = arith.constant 0 : i32
    %dma_start3A_22 = tpu.memref_slice %arg8[%dma_start3A_20, %dma_start3A_21] : memref<256x128xf32, #tpu.memory_space<vmem>> -> memref<128x128xf32, #tpu.memory_space<vmem>>
    %dma_start3A_23 = arith.constant 0 : i32
    %dma_start3A_24 = tpu.memref_slice %arg7[%dma_start3A_19, %dma_start3A_23] : memref<2x128xi32, #tpu.memory_space<vmem>> -> memref<1x128xi32, #tpu.memory_space<vmem>>
    %dma_start3A_25 = tpu.memref_squeeze %dma_start3A_24 : memref<1x128xi32, #tpu.memory_space<vmem>> -> memref<128xi32, #tpu.memory_space<vmem>>
    %dma_start3A_26 = arith.constant 0 : i32
    %dma_start3A_27 = arith.constant 0 : i32
    %dma_start3A_28 = tpu.memref_slice %arg2[%dma_start3A_26, %dma_start3A_27] : memref<8192x128xf32, #tpu.memory_space<hbm>> -> memref<8192x128xf32, #tpu.memory_space<hbm>>
    tpu.enqueue_indirect_dma source(%dma_start3A_28 : memref<8192x128xf32, #tpu.memory_space<hbm>>) target(%dma_start3A_22 : memref<128x128xf32, #tpu.memory_space<vmem>>) offsets(%dma_start3A_25 : memref<128xi32, #tpu.memory_space<vmem>>) semaphore(%arg12 : memref<!tpu.dma_semaphore, #tpu.memory_space<semaphore_mem>>)
    %dma_wait3A_29 = arith.constant 1 : i32
    %dma_wait3A_30 = arith.constant 128 : i32
    %dma_wait3A_31 = arith.constant 0 : i32
    %dma_wait3A_32 = tpu.memref_slice %arg8[%dma_wait3A_30, %dma_wait3A_31] : memref<256x128xf32, #tpu.memory_space<vmem>> -> memref<128x128xf32, #tpu.memory_space<vmem>>
    %dma_wait3A_33 = arith.constant 0 : i32
    %dma_wait3A_34 = tpu.memref_slice %arg7[%dma_wait3A_29, %dma_wait3A_33] : memref<2x128xi32, #tpu.memory_space<vmem>> -> memref<1x128xi32, #tpu.memory_space<vmem>>
    %dma_wait3A_35 = tpu.memref_squeeze %dma_wait3A_34 : memref<1x128xi32, #tpu.memory_space<vmem>> -> memref<128xi32, #tpu.memory_space<vmem>>
    %dma_wait3A_36 = arith.constant 0 : i32
    %dma_wait3A_37 = arith.constant 0 : i32
    %dma_wait3A_38 = tpu.memref_slice %arg2[%dma_wait3A_36, %dma_wait3A_37] : memref<8192x128xf32, #tpu.memory_space<hbm>> -> memref<8192x128xf32, #tpu.memory_space<hbm>>
    tpu.wait_indirect_dma semaphore(%arg12 : memref<!tpu.dma_semaphore, #tpu.memory_space<semaphore_mem>>) src(%dma_wait3A_38 : memref<8192x128xf32, #tpu.memory_space<hbm>>) dst(%dma_wait3A_32 : memref<128x128xf32, #tpu.memory_space<vmem>>)
    %mul3A_39 = arith.constant 256 : i32
    %mul3A_40 = arith.muli %add3A, %mul3A_39 : i32
    "tpu.region"() ({
      %run_scoped3A_55 = tpu.sem_alloc : memref<!tpu.dma_semaphore, #tpu.memory_space<semaphore_mem>>
      %dma_start3A_56 = arith.constant 0 : i32
      %dma_start3A_57 = tpu.memref_slice %arg4[%mul3A_40, %dma_start3A_56] : memref<8192x128xf32, #tpu.memory_space<hbm>> -> memref<256x128xf32, #tpu.memory_space<hbm>>
      %dma_start3A_58 = arith.constant 0 : i32
      %dma_start3A_59 = tpu.memref_slice %arg4[%mul3A_40, %dma_start3A_58] : memref<8192x128xf32, #tpu.memory_space<hbm>> -> memref<256x128xf32, #tpu.memory_space<hbm>>
      tpu.enqueue_dma source(%arg8 : memref<256x128xf32, #tpu.memory_space<vmem>>) target(%dma_start3A_59 : memref<256x128xf32, #tpu.memory_space<hbm>>) target_semaphore(%run_scoped3A_55 : memref<!tpu.dma_semaphore, #tpu.memory_space<semaphore_mem>>)
      %dma_wait3A_60 = arith.constant 0 : i32
      %dma_wait3A_61 = tpu.memref_slice %arg4[%mul3A_40, %dma_wait3A_60] : memref<8192x128xf32, #tpu.memory_space<hbm>> -> memref<256x128xf32, #tpu.memory_space<hbm>>
      %dma_wait3A_62 = arith.constant 0 : i32
      %dma_wait3A_63 = tpu.memref_slice %arg4[%mul3A_40, %dma_wait3A_62] : memref<8192x128xf32, #tpu.memory_space<hbm>> -> memref<256x128xf32, #tpu.memory_space<hbm>>
      tpu.wait_dma2 semaphore(%run_scoped3A_55 : memref<!tpu.dma_semaphore, #tpu.memory_space<semaphore_mem>>) src(%arg8 : memref<256x128xf32, #tpu.memory_space<vmem>>) dst(%dma_wait3A_63 : memref<256x128xf32, #tpu.memory_space<hbm>>)
      tpu.yield
    }) : () -> ()
    %scan3A = arith.constant 0 : i32
    %scan3A_41 = arith.constant 0 : i32
    %scan3A_42 = arith.constant 8 : i32
    %scan3A_43 = arith.addi %scan3A_41, %scan3A_42 : i32
    %scan3A_44 = arith.constant 1 : i32
    scf.for %scan3A_55 = %scan3A_41 to %scan3A_43 step %scan3A_44  : i32 {
      %broadcast_in_dim3A = arith.constant 1.000000e+00 : f32
      %broadcast_in_dim3A_56 = vector.broadcast %broadcast_in_dim3A : f32 to vector<16xf32>
      %mul3A_57 = arith.constant 16 : i32
      %mul3A_58 = arith.muli %scan3A_55, %mul3A_57 : i32
      %swap3A = arith.index_cast %mul3A_58 : i32 to index
      %swap3A_59 = tpu.vector_load %arg9[%swap3A] {strides = array<i32>} : memref<128xf32, #tpu.memory_space<vmem>>, vector<16xf32>,
      %swap3A_60 = vector.shape_cast %swap3A_59 : vector<16xf32> to vector<16xf32>
      %swap3A_61 = vector.shape_cast %broadcast_in_dim3A_56 : vector<16xf32> to vector<16xf32>
      tpu.vector_store %arg9[%swap3A], %swap3A_61 {strides = array<i32>} : memref<128xf32, #tpu.memory_space<vmem>>, vector<16xf32>,
    }
    %scan3A_45 = arith.constant 8 : i32
    %eq3A = arith.constant 0 : i32
    %eq3A_46 = arith.cmpi eq, %arg1, %eq3A : i32
    %convert_element_type3A = arith.extui %eq3A_46 : i1 to i32
    %cond3A = arith.constant 0 : i32
    %cond3A_47 = arith.cmpi ne, %convert_element_type3A, %cond3A : i32
    scf.if %cond3A_47 {
      %scan3A_55 = arith.constant 0 : i32
      %scan3A_56 = arith.constant 0 : i32
      %scan3A_57 = arith.constant 512 : i32
      %scan3A_58 = arith.addi %scan3A_56, %scan3A_57 : i32
      %scan3A_59 = arith.constant 1 : i32
      scf.for %scan3A_61 = %scan3A_56 to %scan3A_58 step %scan3A_59  : i32 {
        %broadcast_in_dim3A = arith.constant 0.000000e+00 : f32
        %broadcast_in_dim3A_62 = vector.broadcast %broadcast_in_dim3A : f32 to vector<16xf32>
        %mul3A_63 = arith.constant 16 : i32
        %mul3A_64 = arith.muli %scan3A_61, %mul3A_63 : i32
        %swap3A = arith.index_cast %mul3A_64 : i32 to index
        %swap3A_65 = tpu.vector_load %arg10[%swap3A] {strides = array<i32>} : memref<8192xf32, #tpu.memory_space<vmem>>, vector<16xf32>,
        %swap3A_66 = vector.shape_cast %swap3A_65 : vector<16xf32> to vector<16xf32>
        %swap3A_67 = vector.shape_cast %broadcast_in_dim3A_62 : vector<16xf32> to vector<16xf32>
        tpu.vector_store %arg10[%swap3A], %swap3A_67 {strides = array<i32>} : memref<8192xf32, #tpu.memory_space<vmem>>, vector<16xf32>,
      }
      %scan3A_60 = arith.constant 512 : i32
      "tpu.region"() ({
        %run_scoped3A_61 = tpu.sem_alloc : memref<!tpu.dma_semaphore, #tpu.memory_space<semaphore_mem>>
        tpu.enqueue_dma source(%arg10 : memref<8192xf32, #tpu.memory_space<vmem>>) target(%arg11 : memref<8192xf32, #tpu.memory_space<vmem_shared>>) target_semaphore(%run_scoped3A_61 : memref<!tpu.dma_semaphore, #tpu.memory_space<semaphore_mem>>)
        tpu.wait_dma2 semaphore(%run_scoped3A_61 : memref<!tpu.dma_semaphore, #tpu.memory_space<semaphore_mem>>) src(%arg10 : memref<8192xf32, #tpu.memory_space<vmem>>) dst(%arg11 : memref<8192xf32, #tpu.memory_space<vmem_shared>>)
        tpu.yield
      }) : () -> ()
    } else {
    }
    %barrier3A = arith.constant 0 : index
    tpu.barrier barrier_id(%barrier3A)
    %run_scoped3A = arith.constant 0 : i32
    "tpu.region"() ({
      %run_scoped3A_55 = tpu.sem_alloc : memref<!tpu.dma_semaphore, #tpu.memory_space<semaphore_mem>>
      %dma_start3A_56 = arith.constant 0 : i32
      %dma_start3A_57 = tpu.memref_slice %arg7[%run_scoped3A, %dma_start3A_56] : memref<2x128xi32, #tpu.memory_space<vmem>> -> memref<1x128xi32, #tpu.memory_space<vmem>>
      %dma_start3A_58 = tpu.memref_squeeze %dma_start3A_57 : memref<1x128xi32, #tpu.memory_space<vmem>> -> memref<128xi32, #tpu.memory_space<vmem>>
      %dma_start3A_59 = arith.constant 0 : i32
      %dma_start3A_60 = tpu.memref_slice %arg11[%dma_start3A_59] : memref<8192xf32, #tpu.memory_space<vmem_shared>> -> memref<8192xf32, #tpu.memory_space<vmem_shared>>
      tpu.enqueue_indirect_dma source(%arg9 : memref<128xf32, #tpu.memory_space<vmem>>) target(%dma_start3A_60 : memref<8192xf32, #tpu.memory_space<vmem_shared>>) offsets(%dma_start3A_58 : memref<128xi32, #tpu.memory_space<vmem>>) semaphore(%run_scoped3A_55 : memref<!tpu.dma_semaphore, #tpu.memory_space<semaphore_mem>>) {add = true}
      %dma_wait3A_61 = arith.constant 0 : i32
      %dma_wait3A_62 = tpu.memref_slice %arg7[%run_scoped3A, %dma_wait3A_61] : memref<2x128xi32, #tpu.memory_space<vmem>> -> memref<1x128xi32, #tpu.memory_space<vmem>>
      %dma_wait3A_63 = tpu.memref_squeeze %dma_wait3A_62 : memref<1x128xi32, #tpu.memory_space<vmem>> -> memref<128xi32, #tpu.memory_space<vmem>>
      %dma_wait3A_64 = arith.constant 0 : i32
      %dma_wait3A_65 = tpu.memref_slice %arg11[%dma_wait3A_64] : memref<8192xf32, #tpu.memory_space<vmem_shared>> -> memref<8192xf32, #tpu.memory_space<vmem_shared>>
      tpu.wait_indirect_dma semaphore(%run_scoped3A_55 : memref<!tpu.dma_semaphore, #tpu.memory_space<semaphore_mem>>) src(%arg9 : memref<128xf32, #tpu.memory_space<vmem>>) dst(%dma_wait3A_65 : memref<8192xf32, #tpu.memory_space<vmem_shared>>)
      tpu.yield
    }) : () -> ()
    %run_scoped3A_48 = arith.constant 1 : i32
    "tpu.region"() ({
      %run_scoped3A_55 = tpu.sem_alloc : memref<!tpu.dma_semaphore, #tpu.memory_space<semaphore_mem>>
      %dma_start3A_56 = arith.constant 0 : i32
      %dma_start3A_57 = tpu.memref_slice %arg7[%run_scoped3A_48, %dma_start3A_56] : memref<2x128xi32, #tpu.memory_space<vmem>> -> memref<1x128xi32, #tpu.memory_space<vmem>>
      %dma_start3A_58 = tpu.memref_squeeze %dma_start3A_57 : memref<1x128xi32, #tpu.memory_space<vmem>> -> memref<128xi32, #tpu.memory_space<vmem>>
      %dma_start3A_59 = arith.constant 0 : i32
      %dma_start3A_60 = tpu.memref_slice %arg11[%dma_start3A_59] : memref<8192xf32, #tpu.memory_space<vmem_shared>> -> memref<8192xf32, #tpu.memory_space<vmem_shared>>
      tpu.enqueue_indirect_dma source(%arg9 : memref<128xf32, #tpu.memory_space<vmem>>) target(%dma_start3A_60 : memref<8192xf32, #tpu.memory_space<vmem_shared>>) offsets(%dma_start3A_58 : memref<128xi32, #tpu.memory_space<vmem>>) semaphore(%run_scoped3A_55 : memref<!tpu.dma_semaphore, #tpu.memory_space<semaphore_mem>>) {add = true}
      %dma_wait3A_61 = arith.constant 0 : i32
      %dma_wait3A_62 = tpu.memref_slice %arg7[%run_scoped3A_48, %dma_wait3A_61] : memref<2x128xi32, #tpu.memory_space<vmem>> -> memref<1x128xi32, #tpu.memory_space<vmem>>
      %dma_wait3A_63 = tpu.memref_squeeze %dma_wait3A_62 : memref<1x128xi32, #tpu.memory_space<vmem>> -> memref<128xi32, #tpu.memory_space<vmem>>
      %dma_wait3A_64 = arith.constant 0 : i32
      %dma_wait3A_65 = tpu.memref_slice %arg11[%dma_wait3A_64] : memref<8192xf32, #tpu.memory_space<vmem_shared>> -> memref<8192xf32, #tpu.memory_space<vmem_shared>>
      tpu.wait_indirect_dma semaphore(%run_scoped3A_55 : memref<!tpu.dma_semaphore, #tpu.memory_space<semaphore_mem>>) src(%arg9 : memref<128xf32, #tpu.memory_space<vmem>>) dst(%dma_wait3A_65 : memref<8192xf32, #tpu.memory_space<vmem_shared>>)
      tpu.yield
    }) : () -> ()
    %barrier3A_49 = arith.constant 0 : index
    tpu.barrier barrier_id(%barrier3A_49)
    %eq3A_50 = arith.constant 0 : i32
    %eq3A_51 = arith.cmpi eq, %arg1, %eq3A_50 : i32
    %convert_element_type3A_52 = arith.extui %eq3A_51 : i1 to i32
    %cond3A_53 = arith.constant 0 : i32
    %cond3A_54 = arith.cmpi ne, %convert_element_type3A_52, %cond3A_53 : i32
    scf.if %cond3A_54 {
      "tpu.region"() ({
        %run_scoped3A_65 = tpu.sem_alloc : memref<!tpu.dma_semaphore, #tpu.memory_space<semaphore_mem>>
        tpu.enqueue_dma source(%arg11 : memref<8192xf32, #tpu.memory_space<vmem_shared>>) target(%arg10 : memref<8192xf32, #tpu.memory_space<vmem>>) target_semaphore(%run_scoped3A_65 : memref<!tpu.dma_semaphore, #tpu.memory_space<semaphore_mem>>)
        tpu.wait_dma2 semaphore(%run_scoped3A_65 : memref<!tpu.dma_semaphore, #tpu.memory_space<semaphore_mem>>) src(%arg11 : memref<8192xf32, #tpu.memory_space<vmem_shared>>) dst(%arg10 : memref<8192xf32, #tpu.memory_space<vmem>>)
        tpu.yield
      }) : () -> ()
      %eq3A_55 = arith.constant 0 : i32
      %eq3A_56 = arith.cmpi eq, %arg0, %eq3A_55 : i32
      %convert_element_type3A_57 = arith.extui %eq3A_56 : i1 to i32
      %cond3A_58 = arith.constant 0 : i32
      %cond3A_59 = arith.cmpi ne, %convert_element_type3A_57, %cond3A_58 : i32
      scf.if %cond3A_59 {
        "tpu.region"() ({
          %run_scoped3A_65 = tpu.sem_alloc : memref<!tpu.dma_semaphore, #tpu.memory_space<semaphore_mem>>
          tpu.enqueue_dma source(%arg10 : memref<8192xf32, #tpu.memory_space<vmem>>) target(%arg5 : memref<8192xf32, #tpu.memory_space<hbm>>) target_semaphore(%run_scoped3A_65 : memref<!tpu.dma_semaphore, #tpu.memory_space<semaphore_mem>>)
          tpu.wait_dma2 semaphore(%run_scoped3A_65 : memref<!tpu.dma_semaphore, #tpu.memory_space<semaphore_mem>>) src(%arg10 : memref<8192xf32, #tpu.memory_space<vmem>>) dst(%arg5 : memref<8192xf32, #tpu.memory_space<hbm>>)
          tpu.yield
        }) : () -> ()
      } else {
      }
      %eq3A_60 = arith.constant 1 : i32
      %eq3A_61 = arith.cmpi eq, %arg0, %eq3A_60 : i32
      %convert_element_type3A_62 = arith.extui %eq3A_61 : i1 to i32
      %cond3A_63 = arith.constant 0 : i32
      %cond3A_64 = arith.cmpi ne, %convert_element_type3A_62, %cond3A_63 : i32
      scf.if %cond3A_64 {
        "tpu.region"() ({
          %run_scoped3A_65 = tpu.sem_alloc : memref<!tpu.dma_semaphore, #tpu.memory_space<semaphore_mem>>
          tpu.enqueue_dma source(%arg10 : memref<8192xf32, #tpu.memory_space<vmem>>) target(%arg6 : memref<8192xf32, #tpu.memory_space<hbm>>) target_semaphore(%run_scoped3A_65 : memref<!tpu.dma_semaphore, #tpu.memory_space<semaphore_mem>>)
          tpu.wait_dma2 semaphore(%run_scoped3A_65 : memref<!tpu.dma_semaphore, #tpu.memory_space<semaphore_mem>>) src(%arg10 : memref<8192xf32, #tpu.memory_space<vmem>>) dst(%arg6 : memref<8192xf32, #tpu.memory_space<hbm>>)
          tpu.yield
        }) : () -> ()
      } else {
      }
    } else {
    }
    return
  }
}

module attributes {stable_mosaic.version = 14 : i64} {
  func.func @_dist_body(%arg0: i32, %arg1: memref<2048x32xf32, #tpu.memory_space<vmem>>, %arg2: memref<8192x32xf32, #tpu.memory_space<vmem>>, %arg3: memref<2048x1xi32, #tpu.memory_space<vmem>>, %arg4: memref<8192x32xf32, #tpu.memory_space<vmem>>, %arg5: memref<1x8192xf32, #tpu.memory_space<vmem>>) attributes {dimension_semantics = [#tpu.dimension_semantics<arbitrary>], iteration_bounds = array<i64: 4>, scalar_prefetch = 0 : i64, scratch_operands = 2 : i64, tpu.core_type = #tpu.core_type<tc>, window_params = [{transform_indices = @transform_0, window_bounds = array<i64: 2048, 32>}, {pipeline_mode = #tpu.pipeline_mode<synchronous>, transform_indices = @transform_1, window_bounds = array<i64: 8192, 32>}, {transform_indices = @transform_2, window_bounds = array<i64: 2048, 1>}]} {
    %eq3A = arith.constant 0 : i32
    %eq3A_0 = arith.cmpi eq, %arg0, %eq3A : i32
    %convert_element_type3A = arith.extui %eq3A_0 : i1 to i32
    %cond3A = arith.constant 0 : i32
    %cond3A_1 = arith.cmpi ne, %convert_element_type3A, %cond3A : i32
    scf.if %cond3A_1 {
      %get3A_266 = arith.constant 0 : index
      %get3A_267 = arith.constant 0 : index
      %get3A_268 = vector.load %arg2[%get3A_266, %get3A_267] : memref<8192x32xf32, #tpu.memory_space<vmem>>, vector<8192x32xf32>
      %mul3A_269 = arith.mulf %get3A_268, %get3A_268 : vector<8192x32xf32>
      %reduce_sum3A_270 = arith.constant dense<0.000000e+00> : vector<8192xf32>
      %reduce_sum3A_271 = vector.multi_reduction <add>, %mul3A_269, %reduce_sum3A_270 [1] : vector<8192x32xf32> to vector<8192xf32>
      %broadcast_in_dim3A_272 = vector.shape_cast %reduce_sum3A_271 : vector<8192xf32> to vector<8192x1xf32>
      %sqrt3A = math.sqrt %broadcast_in_dim3A_272 : vector<8192x1xf32>
      %add3A_273 = arith.constant 9.99999974E-5 : f32
      %add3A_274 = vector.broadcast %add3A_273 : f32 to vector<8192x1xf32>
      %add3A_275 = arith.addf %sqrt3A, %add3A_274 : vector<8192x1xf32>
      %div3A = vector.broadcast %add3A_275 : vector<8192x1xf32> to vector<8192x32xf32>
      %div3A_276 = arith.divf %get3A_268, %div3A : vector<8192x32xf32>
      %swap3A_277 = arith.constant 0 : index
      %swap3A_278 = arith.constant 0 : index
      %swap3A_279 = vector.load %arg4[%swap3A_277, %swap3A_278] : memref<8192x32xf32, #tpu.memory_space<vmem>>, vector<8192x32xf32>
      tpu.vector_store %arg4[%swap3A_277, %swap3A_278], %div3A_276 {strides = array<i32>} : memref<8192x32xf32, #tpu.memory_space<vmem>>, vector<8192x32xf32>,
      %broadcast_in_dim3A_280 = arith.constant 1.000000e+00 : f32
      %broadcast_in_dim3A_281 = vector.broadcast %broadcast_in_dim3A_280 : f32 to vector<1x32xf32>
      %mul3A_282 = arith.mulf %div3A_276, %div3A_276 : vector<8192x32xf32>
      %dot_general3A_283 = arith.constant dense<0.000000e+00> : vector<1x8192xf32>
      %dot_general3A_284 = tpu.matmul %broadcast_in_dim3A_281, %mul3A_282, %dot_general3A_283 {dimension_numbers = #tpu.dot_dimension_numbers<[1], [1], [0], [0], [0, 0, 1, 0], [], []>, precision = #tpu.contract_precision<fp32>, transpose_lhs_hint = false} : vector<1x32xf32>, vector<8192x32xf32>, vector<1x8192xf32> -> vector<1x8192xf32>
      %swap3A_285 = arith.constant 0 : index
      %swap3A_286 = arith.constant 0 : index
      %swap3A_287 = vector.load %arg5[%swap3A_285, %swap3A_286] : memref<1x8192xf32, #tpu.memory_space<vmem>>, vector<1x8192xf32>
      tpu.vector_store %arg5[%swap3A_285, %swap3A_286], %dot_general3A_284 {strides = array<i32>} : memref<1x8192xf32, #tpu.memory_space<vmem>>, vector<1x8192xf32>,
    } else {
    }
    %get3A = arith.constant 0 : index
    %get3A_2 = arith.constant 0 : index
    %get3A_3 = vector.load %arg1[%get3A, %get3A_2] : memref<2048x32xf32, #tpu.memory_space<vmem>>, vector<2048x32xf32>
    %mul3A = arith.mulf %get3A_3, %get3A_3 : vector<2048x32xf32>
    %reduce_sum3A = arith.constant dense<0.000000e+00> : vector<2048xf32>
    %reduce_sum3A_4 = vector.multi_reduction <add>, %mul3A, %reduce_sum3A [1] : vector<2048x32xf32> to vector<2048xf32>
    %broadcast_in_dim3A = vector.shape_cast %reduce_sum3A_4 : vector<2048xf32> to vector<2048x1xf32>
    %broadcast_in_dim3A_5 = arith.constant 0x7F800000 : f32
    %broadcast_in_dim3A_6 = vector.broadcast %broadcast_in_dim3A_5 : f32 to vector<2048x1xf32>
    %broadcast_in_dim3A_7 = arith.constant 0 : i32
    %broadcast_in_dim3A_8 = vector.broadcast %broadcast_in_dim3A_7 : i32 to vector<2048x1xi32>
    %get3A_9 = arith.constant 0 : index
    %get3A_10 = arith.constant 0 : index
    %get3A_11 = vector.load %arg4[%get3A_9, %get3A_10] : memref<8192x32xf32, #tpu.memory_space<vmem>>, vector<1024x32xf32>
    %dot_general3A = arith.constant dense<0.000000e+00> : vector<2048x1024xf32>
    %dot_general3A_12 = tpu.matmul %get3A_3, %get3A_11, %dot_general3A {dimension_numbers = #tpu.dot_dimension_numbers<[1], [1], [0], [0], [0, 0, 1, 0], [], []>, transpose_lhs_hint = false} : vector<2048x32xf32>, vector<1024x32xf32>, vector<2048x1024xf32> -> vector<2048x1024xf32>
    %get3A_13 = arith.constant 0 : index
    %get3A_14 = arith.constant 0 : index
    %get3A_15 = vector.load %arg5[%get3A_13, %get3A_14] : memref<1x8192xf32, #tpu.memory_space<vmem>>, vector<1x1024xf32>
    %add3A = vector.broadcast %get3A_15 : vector<1x1024xf32> to vector<2048x1024xf32>
    %add3A_16 = vector.broadcast %broadcast_in_dim3A : vector<2048x1xf32> to vector<2048x1024xf32>
    %add3A_17 = arith.addf %add3A, %add3A_16 : vector<2048x1024xf32>
    %mul3A_18 = arith.constant 2.000000e+00 : f32
    %mul3A_19 = vector.broadcast %mul3A_18 : f32 to vector<2048x1024xf32>
    %mul3A_20 = arith.mulf %mul3A_19, %dot_general3A_12 : vector<2048x1024xf32>
    %sub3A = arith.subf %add3A_17, %mul3A_20 : vector<2048x1024xf32>
    %reduce_min3A = arith.constant dense<0x7F800000> : vector<2048xf32>
    %reduce_min3A_21 = vector.multi_reduction <minimumf>, %sub3A, %reduce_min3A [1] : vector<2048x1024xf32> to vector<2048xf32>
    %broadcast_in_dim3A_22 = vector.shape_cast %reduce_min3A_21 : vector<2048xf32> to vector<2048x1xf32>
    %iota3A = tpu.iota {dimensions = array<i32: 1>} : vector<2048x1024xi32>
    %eq3A_23 = vector.broadcast %broadcast_in_dim3A_22 : vector<2048x1xf32> to vector<2048x1024xf32>
    %eq3A_24 = arith.cmpf oeq, %sub3A, %eq3A_23 : vector<2048x1024xf32>
    %jit3A = arith.constant 8192 : i32
    %broadcast_in_dim3A_25 = vector.broadcast %jit3A : i32 to vector<2048x1024xi32>
    %select_n3A = arith.select %eq3A_24, %iota3A, %broadcast_in_dim3A_25 : vector<2048x1024xi1>, vector<2048x1024xi32>
    %reduce_min3A_26 = arith.constant dense<2147483647> : vector<2048xi32>
    %reduce_min3A_27 = vector.multi_reduction <minsi>, %select_n3A, %reduce_min3A_26 [1] : vector<2048x1024xi32> to vector<2048xi32>
    %broadcast_in_dim3A_28 = vector.shape_cast %reduce_min3A_27 : vector<2048xi32> to vector<2048x1xi32>
    %add3A_29 = arith.constant 0 : i32
    %add3A_30 = vector.broadcast %add3A_29 : i32 to vector<2048x1xi32>
    %add3A_31 = arith.addi %broadcast_in_dim3A_28, %add3A_30 : vector<2048x1xi32>
    %lt3A = arith.cmpf olt, %broadcast_in_dim3A_22, %broadcast_in_dim3A_6 : vector<2048x1xf32>
    %select_n3A_32 = arith.select %lt3A, %broadcast_in_dim3A_22, %broadcast_in_dim3A_6 : vector<2048x1xi1>, vector<2048x1xf32>
    %select_n3A_33 = arith.select %lt3A, %add3A_31, %broadcast_in_dim3A_8 : vector<2048x1xi1>, vector<2048x1xi32>
    %get3A_34 = arith.constant 1024 : index
    %get3A_35 = arith.constant 0 : index
    %get3A_36 = vector.load %arg4[%get3A_34, %get3A_35] : memref<8192x32xf32, #tpu.memory_space<vmem>>, vector<1024x32xf32>
    %dot_general3A_37 = arith.constant dense<0.000000e+00> : vector<2048x1024xf32>
    %dot_general3A_38 = tpu.matmul %get3A_3, %get3A_36, %dot_general3A_37 {dimension_numbers = #tpu.dot_dimension_numbers<[1], [1], [0], [0], [0, 0, 1, 0], [], []>, transpose_lhs_hint = false} : vector<2048x32xf32>, vector<1024x32xf32>, vector<2048x1024xf32> -> vector<2048x1024xf32>
    %get3A_39 = arith.constant 0 : index
    %get3A_40 = arith.constant 1024 : index
    %get3A_41 = vector.load %arg5[%get3A_39, %get3A_40] : memref<1x8192xf32, #tpu.memory_space<vmem>>, vector<1x1024xf32>
    %add3A_42 = vector.broadcast %get3A_41 : vector<1x1024xf32> to vector<2048x1024xf32>
    %add3A_43 = vector.broadcast %broadcast_in_dim3A : vector<2048x1xf32> to vector<2048x1024xf32>
    %add3A_44 = arith.addf %add3A_42, %add3A_43 : vector<2048x1024xf32>
    %mul3A_45 = arith.constant 2.000000e+00 : f32
    %mul3A_46 = vector.broadcast %mul3A_45 : f32 to vector<2048x1024xf32>
    %mul3A_47 = arith.mulf %mul3A_46, %dot_general3A_38 : vector<2048x1024xf32>
    %sub3A_48 = arith.subf %add3A_44, %mul3A_47 : vector<2048x1024xf32>
    %reduce_min3A_49 = arith.constant dense<0x7F800000> : vector<2048xf32>
    %reduce_min3A_50 = vector.multi_reduction <minimumf>, %sub3A_48, %reduce_min3A_49 [1] : vector<2048x1024xf32> to vector<2048xf32>
    %broadcast_in_dim3A_51 = vector.shape_cast %reduce_min3A_50 : vector<2048xf32> to vector<2048x1xf32>
    %iota3A_52 = tpu.iota {dimensions = array<i32: 1>} : vector<2048x1024xi32>
    %eq3A_53 = vector.broadcast %broadcast_in_dim3A_51 : vector<2048x1xf32> to vector<2048x1024xf32>
    %eq3A_54 = arith.cmpf oeq, %sub3A_48, %eq3A_53 : vector<2048x1024xf32>
    %jit3A_55 = arith.constant 8192 : i32
    %broadcast_in_dim3A_56 = vector.broadcast %jit3A_55 : i32 to vector<2048x1024xi32>
    %select_n3A_57 = arith.select %eq3A_54, %iota3A_52, %broadcast_in_dim3A_56 : vector<2048x1024xi1>, vector<2048x1024xi32>
    %reduce_min3A_58 = arith.constant dense<2147483647> : vector<2048xi32>
    %reduce_min3A_59 = vector.multi_reduction <minsi>, %select_n3A_57, %reduce_min3A_58 [1] : vector<2048x1024xi32> to vector<2048xi32>
    %broadcast_in_dim3A_60 = vector.shape_cast %reduce_min3A_59 : vector<2048xi32> to vector<2048x1xi32>
    %add3A_61 = arith.constant 1024 : i32
    %add3A_62 = vector.broadcast %add3A_61 : i32 to vector<2048x1xi32>
    %add3A_63 = arith.addi %broadcast_in_dim3A_60, %add3A_62 : vector<2048x1xi32>
    %lt3A_64 = arith.cmpf olt, %broadcast_in_dim3A_51, %select_n3A_32 : vector<2048x1xf32>
    %select_n3A_65 = arith.select %lt3A_64, %broadcast_in_dim3A_51, %select_n3A_32 : vector<2048x1xi1>, vector<2048x1xf32>
    %select_n3A_66 = arith.select %lt3A_64, %add3A_63, %select_n3A_33 : vector<2048x1xi1>, vector<2048x1xi32>
    %get3A_67 = arith.constant 2048 : index
    %get3A_68 = arith.constant 0 : index
    %get3A_69 = vector.load %arg4[%get3A_67, %get3A_68] : memref<8192x32xf32, #tpu.memory_space<vmem>>, vector<1024x32xf32>
    %dot_general3A_70 = arith.constant dense<0.000000e+00> : vector<2048x1024xf32>
    %dot_general3A_71 = tpu.matmul %get3A_3, %get3A_69, %dot_general3A_70 {dimension_numbers = #tpu.dot_dimension_numbers<[1], [1], [0], [0], [0, 0, 1, 0], [], []>, transpose_lhs_hint = false} : vector<2048x32xf32>, vector<1024x32xf32>, vector<2048x1024xf32> -> vector<2048x1024xf32>
    %get3A_72 = arith.constant 0 : index
    %get3A_73 = arith.constant 2048 : index
    %get3A_74 = vector.load %arg5[%get3A_72, %get3A_73] : memref<1x8192xf32, #tpu.memory_space<vmem>>, vector<1x1024xf32>
    %add3A_75 = vector.broadcast %get3A_74 : vector<1x1024xf32> to vector<2048x1024xf32>
    %add3A_76 = vector.broadcast %broadcast_in_dim3A : vector<2048x1xf32> to vector<2048x1024xf32>
    %add3A_77 = arith.addf %add3A_75, %add3A_76 : vector<2048x1024xf32>
    %mul3A_78 = arith.constant 2.000000e+00 : f32
    %mul3A_79 = vector.broadcast %mul3A_78 : f32 to vector<2048x1024xf32>
    %mul3A_80 = arith.mulf %mul3A_79, %dot_general3A_71 : vector<2048x1024xf32>
    %sub3A_81 = arith.subf %add3A_77, %mul3A_80 : vector<2048x1024xf32>
    %reduce_min3A_82 = arith.constant dense<0x7F800000> : vector<2048xf32>
    %reduce_min3A_83 = vector.multi_reduction <minimumf>, %sub3A_81, %reduce_min3A_82 [1] : vector<2048x1024xf32> to vector<2048xf32>
    %broadcast_in_dim3A_84 = vector.shape_cast %reduce_min3A_83 : vector<2048xf32> to vector<2048x1xf32>
    %iota3A_85 = tpu.iota {dimensions = array<i32: 1>} : vector<2048x1024xi32>
    %eq3A_86 = vector.broadcast %broadcast_in_dim3A_84 : vector<2048x1xf32> to vector<2048x1024xf32>
    %eq3A_87 = arith.cmpf oeq, %sub3A_81, %eq3A_86 : vector<2048x1024xf32>
    %jit3A_88 = arith.constant 8192 : i32
    %broadcast_in_dim3A_89 = vector.broadcast %jit3A_88 : i32 to vector<2048x1024xi32>
    %select_n3A_90 = arith.select %eq3A_87, %iota3A_85, %broadcast_in_dim3A_89 : vector<2048x1024xi1>, vector<2048x1024xi32>
    %reduce_min3A_91 = arith.constant dense<2147483647> : vector<2048xi32>
    %reduce_min3A_92 = vector.multi_reduction <minsi>, %select_n3A_90, %reduce_min3A_91 [1] : vector<2048x1024xi32> to vector<2048xi32>
    %broadcast_in_dim3A_93 = vector.shape_cast %reduce_min3A_92 : vector<2048xi32> to vector<2048x1xi32>
    %add3A_94 = arith.constant 2048 : i32
    %add3A_95 = vector.broadcast %add3A_94 : i32 to vector<2048x1xi32>
    %add3A_96 = arith.addi %broadcast_in_dim3A_93, %add3A_95 : vector<2048x1xi32>
    %lt3A_97 = arith.cmpf olt, %broadcast_in_dim3A_84, %select_n3A_65 : vector<2048x1xf32>
    %select_n3A_98 = arith.select %lt3A_97, %broadcast_in_dim3A_84, %select_n3A_65 : vector<2048x1xi1>, vector<2048x1xf32>
    %select_n3A_99 = arith.select %lt3A_97, %add3A_96, %select_n3A_66 : vector<2048x1xi1>, vector<2048x1xi32>
    %get3A_100 = arith.constant 3072 : index
    %get3A_101 = arith.constant 0 : index
    %get3A_102 = vector.load %arg4[%get3A_100, %get3A_101] : memref<8192x32xf32, #tpu.memory_space<vmem>>, vector<1024x32xf32>
    %dot_general3A_103 = arith.constant dense<0.000000e+00> : vector<2048x1024xf32>
    %dot_general3A_104 = tpu.matmul %get3A_3, %get3A_102, %dot_general3A_103 {dimension_numbers = #tpu.dot_dimension_numbers<[1], [1], [0], [0], [0, 0, 1, 0], [], []>, transpose_lhs_hint = false} : vector<2048x32xf32>, vector<1024x32xf32>, vector<2048x1024xf32> -> vector<2048x1024xf32>
    %get3A_105 = arith.constant 0 : index
    %get3A_106 = arith.constant 3072 : index
    %get3A_107 = vector.load %arg5[%get3A_105, %get3A_106] : memref<1x8192xf32, #tpu.memory_space<vmem>>, vector<1x1024xf32>
    %add3A_108 = vector.broadcast %get3A_107 : vector<1x1024xf32> to vector<2048x1024xf32>
    %add3A_109 = vector.broadcast %broadcast_in_dim3A : vector<2048x1xf32> to vector<2048x1024xf32>
    %add3A_110 = arith.addf %add3A_108, %add3A_109 : vector<2048x1024xf32>
    %mul3A_111 = arith.constant 2.000000e+00 : f32
    %mul3A_112 = vector.broadcast %mul3A_111 : f32 to vector<2048x1024xf32>
    %mul3A_113 = arith.mulf %mul3A_112, %dot_general3A_104 : vector<2048x1024xf32>
    %sub3A_114 = arith.subf %add3A_110, %mul3A_113 : vector<2048x1024xf32>
    %reduce_min3A_115 = arith.constant dense<0x7F800000> : vector<2048xf32>
    %reduce_min3A_116 = vector.multi_reduction <minimumf>, %sub3A_114, %reduce_min3A_115 [1] : vector<2048x1024xf32> to vector<2048xf32>
    %broadcast_in_dim3A_117 = vector.shape_cast %reduce_min3A_116 : vector<2048xf32> to vector<2048x1xf32>
    %iota3A_118 = tpu.iota {dimensions = array<i32: 1>} : vector<2048x1024xi32>
    %eq3A_119 = vector.broadcast %broadcast_in_dim3A_117 : vector<2048x1xf32> to vector<2048x1024xf32>
    %eq3A_120 = arith.cmpf oeq, %sub3A_114, %eq3A_119 : vector<2048x1024xf32>
    %jit3A_121 = arith.constant 8192 : i32
    %broadcast_in_dim3A_122 = vector.broadcast %jit3A_121 : i32 to vector<2048x1024xi32>
    %select_n3A_123 = arith.select %eq3A_120, %iota3A_118, %broadcast_in_dim3A_122 : vector<2048x1024xi1>, vector<2048x1024xi32>
    %reduce_min3A_124 = arith.constant dense<2147483647> : vector<2048xi32>
    %reduce_min3A_125 = vector.multi_reduction <minsi>, %select_n3A_123, %reduce_min3A_124 [1] : vector<2048x1024xi32> to vector<2048xi32>
    %broadcast_in_dim3A_126 = vector.shape_cast %reduce_min3A_125 : vector<2048xi32> to vector<2048x1xi32>
    %add3A_127 = arith.constant 3072 : i32
    %add3A_128 = vector.broadcast %add3A_127 : i32 to vector<2048x1xi32>
    %add3A_129 = arith.addi %broadcast_in_dim3A_126, %add3A_128 : vector<2048x1xi32>
    %lt3A_130 = arith.cmpf olt, %broadcast_in_dim3A_117, %select_n3A_98 : vector<2048x1xf32>
    %select_n3A_131 = arith.select %lt3A_130, %broadcast_in_dim3A_117, %select_n3A_98 : vector<2048x1xi1>, vector<2048x1xf32>
    %select_n3A_132 = arith.select %lt3A_130, %add3A_129, %select_n3A_99 : vector<2048x1xi1>, vector<2048x1xi32>
    %get3A_133 = arith.constant 4096 : index
    %get3A_134 = arith.constant 0 : index
    %get3A_135 = vector.load %arg4[%get3A_133, %get3A_134] : memref<8192x32xf32, #tpu.memory_space<vmem>>, vector<1024x32xf32>
    %dot_general3A_136 = arith.constant dense<0.000000e+00> : vector<2048x1024xf32>
    %dot_general3A_137 = tpu.matmul %get3A_3, %get3A_135, %dot_general3A_136 {dimension_numbers = #tpu.dot_dimension_numbers<[1], [1], [0], [0], [0, 0, 1, 0], [], []>, transpose_lhs_hint = false} : vector<2048x32xf32>, vector<1024x32xf32>, vector<2048x1024xf32> -> vector<2048x1024xf32>
    %get3A_138 = arith.constant 0 : index
    %get3A_139 = arith.constant 4096 : index
    %get3A_140 = vector.load %arg5[%get3A_138, %get3A_139] : memref<1x8192xf32, #tpu.memory_space<vmem>>, vector<1x1024xf32>
    %add3A_141 = vector.broadcast %get3A_140 : vector<1x1024xf32> to vector<2048x1024xf32>
    %add3A_142 = vector.broadcast %broadcast_in_dim3A : vector<2048x1xf32> to vector<2048x1024xf32>
    %add3A_143 = arith.addf %add3A_141, %add3A_142 : vector<2048x1024xf32>
    %mul3A_144 = arith.constant 2.000000e+00 : f32
    %mul3A_145 = vector.broadcast %mul3A_144 : f32 to vector<2048x1024xf32>
    %mul3A_146 = arith.mulf %mul3A_145, %dot_general3A_137 : vector<2048x1024xf32>
    %sub3A_147 = arith.subf %add3A_143, %mul3A_146 : vector<2048x1024xf32>
    %reduce_min3A_148 = arith.constant dense<0x7F800000> : vector<2048xf32>
    %reduce_min3A_149 = vector.multi_reduction <minimumf>, %sub3A_147, %reduce_min3A_148 [1] : vector<2048x1024xf32> to vector<2048xf32>
    %broadcast_in_dim3A_150 = vector.shape_cast %reduce_min3A_149 : vector<2048xf32> to vector<2048x1xf32>
    %iota3A_151 = tpu.iota {dimensions = array<i32: 1>} : vector<2048x1024xi32>
    %eq3A_152 = vector.broadcast %broadcast_in_dim3A_150 : vector<2048x1xf32> to vector<2048x1024xf32>
    %eq3A_153 = arith.cmpf oeq, %sub3A_147, %eq3A_152 : vector<2048x1024xf32>
    %jit3A_154 = arith.constant 8192 : i32
    %broadcast_in_dim3A_155 = vector.broadcast %jit3A_154 : i32 to vector<2048x1024xi32>
    %select_n3A_156 = arith.select %eq3A_153, %iota3A_151, %broadcast_in_dim3A_155 : vector<2048x1024xi1>, vector<2048x1024xi32>
    %reduce_min3A_157 = arith.constant dense<2147483647> : vector<2048xi32>
    %reduce_min3A_158 = vector.multi_reduction <minsi>, %select_n3A_156, %reduce_min3A_157 [1] : vector<2048x1024xi32> to vector<2048xi32>
    %broadcast_in_dim3A_159 = vector.shape_cast %reduce_min3A_158 : vector<2048xi32> to vector<2048x1xi32>
    %add3A_160 = arith.constant 4096 : i32
    %add3A_161 = vector.broadcast %add3A_160 : i32 to vector<2048x1xi32>
    %add3A_162 = arith.addi %broadcast_in_dim3A_159, %add3A_161 : vector<2048x1xi32>
    %lt3A_163 = arith.cmpf olt, %broadcast_in_dim3A_150, %select_n3A_131 : vector<2048x1xf32>
    %select_n3A_164 = arith.select %lt3A_163, %broadcast_in_dim3A_150, %select_n3A_131 : vector<2048x1xi1>, vector<2048x1xf32>
    %select_n3A_165 = arith.select %lt3A_163, %add3A_162, %select_n3A_132 : vector<2048x1xi1>, vector<2048x1xi32>
    %get3A_166 = arith.constant 5120 : index
    %get3A_167 = arith.constant 0 : index
    %get3A_168 = vector.load %arg4[%get3A_166, %get3A_167] : memref<8192x32xf32, #tpu.memory_space<vmem>>, vector<1024x32xf32>
    %dot_general3A_169 = arith.constant dense<0.000000e+00> : vector<2048x1024xf32>
    %dot_general3A_170 = tpu.matmul %get3A_3, %get3A_168, %dot_general3A_169 {dimension_numbers = #tpu.dot_dimension_numbers<[1], [1], [0], [0], [0, 0, 1, 0], [], []>, transpose_lhs_hint = false} : vector<2048x32xf32>, vector<1024x32xf32>, vector<2048x1024xf32> -> vector<2048x1024xf32>
    %get3A_171 = arith.constant 0 : index
    %get3A_172 = arith.constant 5120 : index
    %get3A_173 = vector.load %arg5[%get3A_171, %get3A_172] : memref<1x8192xf32, #tpu.memory_space<vmem>>, vector<1x1024xf32>
    %add3A_174 = vector.broadcast %get3A_173 : vector<1x1024xf32> to vector<2048x1024xf32>
    %add3A_175 = vector.broadcast %broadcast_in_dim3A : vector<2048x1xf32> to vector<2048x1024xf32>
    %add3A_176 = arith.addf %add3A_174, %add3A_175 : vector<2048x1024xf32>
    %mul3A_177 = arith.constant 2.000000e+00 : f32
    %mul3A_178 = vector.broadcast %mul3A_177 : f32 to vector<2048x1024xf32>
    %mul3A_179 = arith.mulf %mul3A_178, %dot_general3A_170 : vector<2048x1024xf32>
    %sub3A_180 = arith.subf %add3A_176, %mul3A_179 : vector<2048x1024xf32>
    %reduce_min3A_181 = arith.constant dense<0x7F800000> : vector<2048xf32>
    %reduce_min3A_182 = vector.multi_reduction <minimumf>, %sub3A_180, %reduce_min3A_181 [1] : vector<2048x1024xf32> to vector<2048xf32>
    %broadcast_in_dim3A_183 = vector.shape_cast %reduce_min3A_182 : vector<2048xf32> to vector<2048x1xf32>
    %iota3A_184 = tpu.iota {dimensions = array<i32: 1>} : vector<2048x1024xi32>
    %eq3A_185 = vector.broadcast %broadcast_in_dim3A_183 : vector<2048x1xf32> to vector<2048x1024xf32>
    %eq3A_186 = arith.cmpf oeq, %sub3A_180, %eq3A_185 : vector<2048x1024xf32>
    %jit3A_187 = arith.constant 8192 : i32
    %broadcast_in_dim3A_188 = vector.broadcast %jit3A_187 : i32 to vector<2048x1024xi32>
    %select_n3A_189 = arith.select %eq3A_186, %iota3A_184, %broadcast_in_dim3A_188 : vector<2048x1024xi1>, vector<2048x1024xi32>
    %reduce_min3A_190 = arith.constant dense<2147483647> : vector<2048xi32>
    %reduce_min3A_191 = vector.multi_reduction <minsi>, %select_n3A_189, %reduce_min3A_190 [1] : vector<2048x1024xi32> to vector<2048xi32>
    %broadcast_in_dim3A_192 = vector.shape_cast %reduce_min3A_191 : vector<2048xi32> to vector<2048x1xi32>
    %add3A_193 = arith.constant 5120 : i32
    %add3A_194 = vector.broadcast %add3A_193 : i32 to vector<2048x1xi32>
    %add3A_195 = arith.addi %broadcast_in_dim3A_192, %add3A_194 : vector<2048x1xi32>
    %lt3A_196 = arith.cmpf olt, %broadcast_in_dim3A_183, %select_n3A_164 : vector<2048x1xf32>
    %select_n3A_197 = arith.select %lt3A_196, %broadcast_in_dim3A_183, %select_n3A_164 : vector<2048x1xi1>, vector<2048x1xf32>
    %select_n3A_198 = arith.select %lt3A_196, %add3A_195, %select_n3A_165 : vector<2048x1xi1>, vector<2048x1xi32>
    %get3A_199 = arith.constant 6144 : index
    %get3A_200 = arith.constant 0 : index
    %get3A_201 = vector.load %arg4[%get3A_199, %get3A_200] : memref<8192x32xf32, #tpu.memory_space<vmem>>, vector<1024x32xf32>
    %dot_general3A_202 = arith.constant dense<0.000000e+00> : vector<2048x1024xf32>
    %dot_general3A_203 = tpu.matmul %get3A_3, %get3A_201, %dot_general3A_202 {dimension_numbers = #tpu.dot_dimension_numbers<[1], [1], [0], [0], [0, 0, 1, 0], [], []>, transpose_lhs_hint = false} : vector<2048x32xf32>, vector<1024x32xf32>, vector<2048x1024xf32> -> vector<2048x1024xf32>
    %get3A_204 = arith.constant 0 : index
    %get3A_205 = arith.constant 6144 : index
    %get3A_206 = vector.load %arg5[%get3A_204, %get3A_205] : memref<1x8192xf32, #tpu.memory_space<vmem>>, vector<1x1024xf32>
    %add3A_207 = vector.broadcast %get3A_206 : vector<1x1024xf32> to vector<2048x1024xf32>
    %add3A_208 = vector.broadcast %broadcast_in_dim3A : vector<2048x1xf32> to vector<2048x1024xf32>
    %add3A_209 = arith.addf %add3A_207, %add3A_208 : vector<2048x1024xf32>
    %mul3A_210 = arith.constant 2.000000e+00 : f32
    %mul3A_211 = vector.broadcast %mul3A_210 : f32 to vector<2048x1024xf32>
    %mul3A_212 = arith.mulf %mul3A_211, %dot_general3A_203 : vector<2048x1024xf32>
    %sub3A_213 = arith.subf %add3A_209, %mul3A_212 : vector<2048x1024xf32>
    %reduce_min3A_214 = arith.constant dense<0x7F800000> : vector<2048xf32>
    %reduce_min3A_215 = vector.multi_reduction <minimumf>, %sub3A_213, %reduce_min3A_214 [1] : vector<2048x1024xf32> to vector<2048xf32>
    %broadcast_in_dim3A_216 = vector.shape_cast %reduce_min3A_215 : vector<2048xf32> to vector<2048x1xf32>
    %iota3A_217 = tpu.iota {dimensions = array<i32: 1>} : vector<2048x1024xi32>
    %eq3A_218 = vector.broadcast %broadcast_in_dim3A_216 : vector<2048x1xf32> to vector<2048x1024xf32>
    %eq3A_219 = arith.cmpf oeq, %sub3A_213, %eq3A_218 : vector<2048x1024xf32>
    %jit3A_220 = arith.constant 8192 : i32
    %broadcast_in_dim3A_221 = vector.broadcast %jit3A_220 : i32 to vector<2048x1024xi32>
    %select_n3A_222 = arith.select %eq3A_219, %iota3A_217, %broadcast_in_dim3A_221 : vector<2048x1024xi1>, vector<2048x1024xi32>
    %reduce_min3A_223 = arith.constant dense<2147483647> : vector<2048xi32>
    %reduce_min3A_224 = vector.multi_reduction <minsi>, %select_n3A_222, %reduce_min3A_223 [1] : vector<2048x1024xi32> to vector<2048xi32>
    %broadcast_in_dim3A_225 = vector.shape_cast %reduce_min3A_224 : vector<2048xi32> to vector<2048x1xi32>
    %add3A_226 = arith.constant 6144 : i32
    %add3A_227 = vector.broadcast %add3A_226 : i32 to vector<2048x1xi32>
    %add3A_228 = arith.addi %broadcast_in_dim3A_225, %add3A_227 : vector<2048x1xi32>
    %lt3A_229 = arith.cmpf olt, %broadcast_in_dim3A_216, %select_n3A_197 : vector<2048x1xf32>
    %select_n3A_230 = arith.select %lt3A_229, %broadcast_in_dim3A_216, %select_n3A_197 : vector<2048x1xi1>, vector<2048x1xf32>
    %select_n3A_231 = arith.select %lt3A_229, %add3A_228, %select_n3A_198 : vector<2048x1xi1>, vector<2048x1xi32>
    %get3A_232 = arith.constant 7168 : index
    %get3A_233 = arith.constant 0 : index
    %get3A_234 = vector.load %arg4[%get3A_232, %get3A_233] : memref<8192x32xf32, #tpu.memory_space<vmem>>, vector<1024x32xf32>
    %dot_general3A_235 = arith.constant dense<0.000000e+00> : vector<2048x1024xf32>
    %dot_general3A_236 = tpu.matmul %get3A_3, %get3A_234, %dot_general3A_235 {dimension_numbers = #tpu.dot_dimension_numbers<[1], [1], [0], [0], [0, 0, 1, 0], [], []>, transpose_lhs_hint = false} : vector<2048x32xf32>, vector<1024x32xf32>, vector<2048x1024xf32> -> vector<2048x1024xf32>
    %get3A_237 = arith.constant 0 : index
    %get3A_238 = arith.constant 7168 : index
    %get3A_239 = vector.load %arg5[%get3A_237, %get3A_238] : memref<1x8192xf32, #tpu.memory_space<vmem>>, vector<1x1024xf32>
    %add3A_240 = vector.broadcast %get3A_239 : vector<1x1024xf32> to vector<2048x1024xf32>
    %add3A_241 = vector.broadcast %broadcast_in_dim3A : vector<2048x1xf32> to vector<2048x1024xf32>
    %add3A_242 = arith.addf %add3A_240, %add3A_241 : vector<2048x1024xf32>
    %mul3A_243 = arith.constant 2.000000e+00 : f32
    %mul3A_244 = vector.broadcast %mul3A_243 : f32 to vector<2048x1024xf32>
    %mul3A_245 = arith.mulf %mul3A_244, %dot_general3A_236 : vector<2048x1024xf32>
    %sub3A_246 = arith.subf %add3A_242, %mul3A_245 : vector<2048x1024xf32>
    %reduce_min3A_247 = arith.constant dense<0x7F800000> : vector<2048xf32>
    %reduce_min3A_248 = vector.multi_reduction <minimumf>, %sub3A_246, %reduce_min3A_247 [1] : vector<2048x1024xf32> to vector<2048xf32>
    %broadcast_in_dim3A_249 = vector.shape_cast %reduce_min3A_248 : vector<2048xf32> to vector<2048x1xf32>
    %iota3A_250 = tpu.iota {dimensions = array<i32: 1>} : vector<2048x1024xi32>
    %eq3A_251 = vector.broadcast %broadcast_in_dim3A_249 : vector<2048x1xf32> to vector<2048x1024xf32>
    %eq3A_252 = arith.cmpf oeq, %sub3A_246, %eq3A_251 : vector<2048x1024xf32>
    %jit3A_253 = arith.constant 8192 : i32
    %broadcast_in_dim3A_254 = vector.broadcast %jit3A_253 : i32 to vector<2048x1024xi32>
    %select_n3A_255 = arith.select %eq3A_252, %iota3A_250, %broadcast_in_dim3A_254 : vector<2048x1024xi1>, vector<2048x1024xi32>
    %reduce_min3A_256 = arith.constant dense<2147483647> : vector<2048xi32>
    %reduce_min3A_257 = vector.multi_reduction <minsi>, %select_n3A_255, %reduce_min3A_256 [1] : vector<2048x1024xi32> to vector<2048xi32>
    %broadcast_in_dim3A_258 = vector.shape_cast %reduce_min3A_257 : vector<2048xi32> to vector<2048x1xi32>
    %add3A_259 = arith.constant 7168 : i32
    %add3A_260 = vector.broadcast %add3A_259 : i32 to vector<2048x1xi32>
    %add3A_261 = arith.addi %broadcast_in_dim3A_258, %add3A_260 : vector<2048x1xi32>
    %lt3A_262 = arith.cmpf olt, %broadcast_in_dim3A_249, %select_n3A_230 : vector<2048x1xf32>
    %select_n3A_263 = arith.select %lt3A_262, %add3A_261, %select_n3A_231 : vector<2048x1xi1>, vector<2048x1xi32>
    %swap3A = arith.constant 0 : index
    %swap3A_264 = arith.constant 0 : index
    %swap3A_265 = vector.load %arg3[%swap3A, %swap3A_264] : memref<2048x1xi32, #tpu.memory_space<vmem>>, vector<2048x1xi32>
    tpu.vector_store %arg3[%swap3A, %swap3A_264], %select_n3A_263 {strides = array<i32>} : memref<2048x1xi32, #tpu.memory_space<vmem>>, vector<2048x1xi32>,
    return
  }
  func.func @transform_0(%arg0: i32) -> (i32, i32) {
    %c0_i32 = arith.constant 0 : i32
    %c0_i32_0 = arith.constant 0 : i32
    return %arg0, %c0_i32 : i32, i32
  }
  func.func @transform_1(%arg0: i32) -> (i32, i32) {
    %c0_i32 = arith.constant 0 : i32
    %c0_i32_0 = arith.constant 0 : i32
    %c0_i32_1 = arith.constant 0 : i32
    return %c0_i32, %c0_i32_0 : i32, i32
  }
  func.func @transform_2(%arg0: i32) -> (i32, i32) {
    %c0_i32 = arith.constant 0 : i32
    %c0_i32_0 = arith.constant 0 : i32
    return %arg0, %c0_i32 : i32, i32
  }
}

module attributes {stable_mosaic.version = 14 : i64} {
  func.func @_fin1_body(%arg0: memref<8192x32xf32, #tpu.memory_space<vmem>>, %arg1: memref<8192x128xf32, #tpu.memory_space<vmem>>, %arg2: memref<1x8192xf32, #tpu.memory_space<vmem>>, %arg3: memref<1x8192xf32, #tpu.memory_space<vmem>>, %arg4: memref<8192x32xf32, #tpu.memory_space<vmem>>, %arg5: memref<1x1xf32, #tpu.memory_space<smem>>, %arg6: memref<1x1xf32, #tpu.memory_space<smem>>) attributes {dimension_semantics = [], scalar_prefetch = 0 : i64, scratch_operands = 0 : i64, tpu.core_type = #tpu.core_type<tc>} {
    %get3A = arith.constant 0 : index
    %get3A_0 = arith.constant 0 : index
    %get3A_1 = vector.load %arg0[%get3A, %get3A_0] : memref<8192x32xf32, #tpu.memory_space<vmem>>, vector<8192x32xf32>
    %get3A_2 = arith.constant 0 : index
    %get3A_3 = arith.constant 0 : index
    %get3A_4 = vector.load %arg1[%get3A_2, %get3A_3] : memref<8192x128xf32, #tpu.memory_space<vmem>>, vector<8192x32xf32>
    %swap3A = arith.constant 0 : index
    %swap3A_5 = arith.constant 0 : index
    %swap3A_6 = vector.load %arg4[%swap3A, %swap3A_5] : memref<8192x32xf32, #tpu.memory_space<vmem>>, vector<8192x32xf32>
    tpu.vector_store %arg4[%swap3A, %swap3A_5], %get3A_4 {strides = array<i32>} : memref<8192x32xf32, #tpu.memory_space<vmem>>, vector<8192x32xf32>,
    %sub3A = arith.subf %get3A_1, %get3A_4 : vector<8192x32xf32>
    %mul3A = arith.mulf %sub3A, %sub3A : vector<8192x32xf32>
    %reduce_sum3A = vector.shape_cast %mul3A : vector<8192x32xf32> to vector<1x8192x32xf32>
    %reduce_sum3A_7 = arith.constant dense<0.000000e+00> : vector<1xf32>
    %reduce_sum3A_8 = vector.multi_reduction <add>, %reduce_sum3A, %reduce_sum3A_7 [1, 2] : vector<1x8192x32xf32> to vector<1xf32>
    %reduce_sum3A_9 = vector.shape_cast %reduce_sum3A_8 : vector<1xf32> to vector<1x1x1xf32>
    %reduce_sum3A_10 = vector.extract %reduce_sum3A_9[0, 0, 0] : f32 from vector<1x1x1xf32>
    %div3A = arith.constant 2.621440e+05 : f32
    %div3A_11 = arith.divf %reduce_sum3A_10, %div3A : f32
    %swap3A_12 = arith.constant 0 : index
    %swap3A_13 = arith.constant 0 : index
    %swap3A_14 = memref.load %arg5[%swap3A_12, %swap3A_13] : memref<1x1xf32, #tpu.memory_space<smem>>
    memref.store %div3A_11, %arg5[%swap3A_12, %swap3A_13] : memref<1x1xf32, #tpu.memory_space<smem>>
    %get3A_15 = arith.constant 0 : index
    %get3A_16 = arith.constant 0 : index
    %get3A_17 = vector.load %arg2[%get3A_15, %get3A_16] : memref<1x8192xf32, #tpu.memory_space<vmem>>, vector<1x8192xf32>
    %get3A_18 = arith.constant 0 : index
    %get3A_19 = arith.constant 0 : index
    %get3A_20 = vector.load %arg3[%get3A_18, %get3A_19] : memref<1x8192xf32, #tpu.memory_space<vmem>>, vector<1x8192xf32>
    %add3A = arith.addf %get3A_17, %get3A_20 : vector<1x8192xf32>
    %div3A_21 = arith.constant 8.192000e+03 : f32
    %div3A_22 = vector.broadcast %div3A_21 : f32 to vector<1x8192xf32>
    %div3A_23 = arith.divf %add3A, %div3A_22 : vector<1x8192xf32>
    %add3A_24 = arith.constant 1.000000e-10 : f32
    %add3A_25 = vector.broadcast %add3A_24 : f32 to vector<1x8192xf32>
    %add3A_26 = arith.addf %div3A_23, %add3A_25 : vector<1x8192xf32>
    %log3A = math.log %add3A_26 : vector<1x8192xf32>
    %mul3A_27 = arith.mulf %div3A_23, %log3A : vector<1x8192xf32>
    %reduce_sum3A_28 = vector.shape_cast %mul3A_27 : vector<1x8192xf32> to vector<1x1x8192xf32>
    %reduce_sum3A_29 = arith.constant dense<0.000000e+00> : vector<1xf32>
    %reduce_sum3A_30 = vector.multi_reduction <add>, %reduce_sum3A_28, %reduce_sum3A_29 [1, 2] : vector<1x1x8192xf32> to vector<1xf32>
    %reduce_sum3A_31 = vector.shape_cast %reduce_sum3A_30 : vector<1xf32> to vector<1x1x1xf32>
    %reduce_sum3A_32 = vector.extract %reduce_sum3A_31[0, 0, 0] : f32 from vector<1x1x1xf32>
    %neg3A = arith.constant 0.000000e+00 : f32
    %neg3A_33 = arith.subf %neg3A, %reduce_sum3A_32 : f32
    %exp3A = math.exp %neg3A_33 : f32
    %swap3A_34 = arith.constant 0 : index
    %swap3A_35 = arith.constant 0 : index
    %swap3A_36 = memref.load %arg6[%swap3A_34, %swap3A_35] : memref<1x1xf32, #tpu.memory_space<smem>>
    memref.store %exp3A, %arg6[%swap3A_34, %swap3A_35] : memref<1x1xf32, #tpu.memory_space<smem>>
    return
  }
}

</mosaic_0001>

<sc_bundles>
// kernel: kernel.5.cloned.1.call-start
scs
__scs_entry_jumppad:
0x0: {  	(pc) =	sbr.rel $0x88, $3  }
0x1: {  	(tag) =	ssettag $0x0;
	lr =	simm.s32 $0x1  }
0x2: {  	[smem:$0x3F9F] =	sst lr;
	_ =	strace $0xD0000000  }
0x3: {  	_ = 	snop  }
0x4: {  	_ = 	snop  }
0x5: {  	_ = 	snop  }
0x6: {  	_ = 	snop  }
0x7: {  	_ = 	snop  }
__scs_overlays_trampoline_lowered:
0x8: {  	[smem:$0x3FAE] =	sst s0  }
0x9: {  	[smem:$0x3FAF] =	sst s1  }
0xa: {  	[smem:$0x3FB0] =	sst s2  }
0xb: {  	[smem:$0x3FB1] =	sst s3  }
0xc: {  	[smem:$0x3FB2] =	sst s4  }
0xd: {  	[smem:$0x3FB3] =	sst s5  }
0xe: {  	[smem:$0x3FB4] =	sst s6  }
0xf: {  	[smem:$0x3FB5] =	sst s7  }
0x10: {  	[smem:$0x3FB6] =	sst s8  }
0x11: {  	[smem:$0x3FB7] =	sst s9;
	s0 =	simm.s32 @!p0 $0x0  }
0x12: {  	s1 =	sld [smem:$0x3F9D];
	s0 =	simm.s32 @p0 $0x1  }
0x13: {  	[smem:$0x3FB8] =	sst s0;
	s0 =	simm.s32 @!p1 $0x0  }
0x14: {  	s2 =	sld [smem:$0x3F9C];
	s0 =	simm.s32 @p1 $0x1  }
0x15: {  	[smem:$0x3FB9] =	sst s0;
	s0 =	simm.s32 @!p2 $0x0  }
0x16: {  	s3 =	sld [smem:$0x3FDB];
	s0 =	simm.s32 @p2 $0x1  }
0x17: {  	s4 =	simm.s32 $0x1BF5;
	[smem:$0x3FBB] =	sst s0  }
0x18: {  	s0 =	sld [smem:$0x3F9E];
	_ =	swait.ge [sflag:s4], $0x0  }
0x19: {  	s7 =	sld [smem:$0x3F9F]  }
0x1a: {  	s8 =	sadd.s32 $0xFFFFE003, lr  }
0x1b: {  	s9 =	sadd.s32 $0xFFFFFEF7, lr;
	s5 =	simm.s32 $0xFFFFFFFF;
	p2 =	slt.u32 s8, $0xFFFFF086  }
0x1c: {  	p1 =	slt.u32 s9, $0xF7A;
	s5 =	simm.s32 @!p2 $0x0  }
0x1d: {  	s5 =	simm.s32 @p1 $0x1;
	p0 =	seq.s32 s7, s2  }
0x1e: {  	s7 =	smul.u32 @!p0 $0xF7A, s2;
	p2 =	seq.s32 @!p0 s5, $0x0  }
0x1f: {  	s9 =	smul.u32 $0xF7A, s1;
	s8 =	simm.s32 @!p0 $0x1BF5;
	p2 =	por !p2, p0  }
0x20: {  	[sflag:s8] =	ssyncset.s32 @!p0 $0xFFFFF086;
	s6 =	sadd.s32 @!p0 s3, s7;
	s7 =	simm.s32 @!p0 $0x108  }
0x21: {  	s3 =	sadd.s32 s3, s9;
	s6 =	sadd.s32 @!p0 $0x88, s6;
	s7 =	simm.s32 @p2 $0x1082  }
0x22: {  	[simem:s7], [sflag:s8] =	dma.local @!p0 [hbm:s6], $0xF7A  }
0x23: {  	s9 =	sor.u32 $0xD0000000, s2;
	s6 =	simm.s32 $0x108;
	_ =	swait.ge @!p0 [sflag:s8], $0x0  }
0x24: {  	s3 =	sadd.s32 $0x88, s3;
	s6 =	simm.s32 @!p1 $0x1082;
	[sflag:s4] =	ssyncset.s32 $0xFFFFF086  }
0x25: {  	[simem:s6], [sflag:s4] =	dma.local [hbm:s3], $0xF7A  }
0x26: {  	[smem:$0x3F9F] =	sst s1;
	(tag) =	ssettag s2;
	_ =	strace s9  }
0x27: {  	s1 =	sld [smem:$0x3FAF]  }
0x28: {  	s2 =	sld [smem:$0x3FB0]  }
0x29: {  	s4 =	sld [smem:$0x3FB2]  }
0x2a: {  	p0 =	seq.s32 s5, $0x0;
	s5 =	sld [smem:$0x3FB3]  }
0x2b: {  	s6 =	sld [smem:$0x3FB4]  }
0x2c: {  	s7 =	sld [smem:$0x3FB5]  }
0x2d: {  	s3 =	simm.s32 $0x108;
	s8 =	sld [smem:$0x3FB6]  }
0x2e: {  	s3 =	simm.s32 @!p0 $0x1082;
	s9 =	sld [smem:$0x3FB7]  }
0x2f: {  	lr =	sadd.s32 s0, s3;
	s0 =	sld [smem:$0x3FAE]  }
0x30: {  	s3 =	sld [smem:$0x3FB1]  }
0x31: {  	[smem:$0x3FBA] =	sst s10  }
0x32: {  	s10 =	sld [smem:$0x3FB8];
	_ =	sdelay $0x3  }
0x33: {  	p0 =	seq.s32 s10, $0x1;
	s10 =	sld [smem:$0x3FBA];
	_ =	sdelay $0x3  }
0x34: {  	[smem:$0x3FBA] =	sst s10  }
0x35: {  	s10 =	sld [smem:$0x3FB9];
	_ =	sdelay $0x3  }
0x36: {  	p1 =	seq.s32 s10, $0x1;
	s10 =	sld [smem:$0x3FBA];
	_ =	sdelay $0x3  }
0x37: {  	[smem:$0x3FBA] =	sst s10  }
0x38: {  	s10 =	sld [smem:$0x3FBB]  }
0x39: {  	_ = 	snop;
	(pc) =	sbr.ind lr, $3  }
0x3a: {  	_ = 	snop  }
0x3b: {  	_ = 	snop  }
0x3c: {  	p2 =	seq.s32 s10, $0x1;
	s10 =	sld [smem:$0x3FBA]  }
0x3d: {  	_ =	shalt  }
0x3e: {  	_ =	shalt  }
0x3f: {  	_ =	shalt  }
0x40: {  	_ =	shalt  }
0x41: {  	_ =	shalt  }
0x42: {  	_ =	shalt  }
0x43: {  	_ =	shalt  }
0x44: {  	_ =	shalt  }
0x45: {  	_ =	shalt  }
0x46: {  	_ =	shalt  }
0x47: {  	_ =	shalt  }
0x48: {  	_ =	shalt  }
0x49: {  	_ =	shalt  }
0x4a: {  	_ =	shalt  }
0x4b: {  	_ =	shalt  }
0x4c: {  	_ =	shalt  }
0x4d: {  	_ =	shalt  }
0x4e: {  	_ =	shalt  }
0x4f: {  	_ =	shalt  }
0x50: {  	_ =	shalt  }
0x51: {  	_ =	shalt  }
0x52: {  	_ =	shalt  }
0x53: {  	_ =	shalt  }
0x54: {  	_ =	shalt  }
0x55: {  	_ =	shalt  }
0x56: {  	_ =	shalt  }
0x57: {  	_ =	shalt  }
0x58: {  	_ =	shalt  }
0x59: {  	_ =	shalt  }
0x5a: {  	_ =	shalt  }
0x5b: {  	_ =	shalt  }
0x5c: {  	_ =	shalt  }
0x5d: {  	_ =	shalt  }
0x5e: {  	_ =	shalt  }
0x5f: {  	_ =	shalt  }
0x60: {  	_ =	shalt  }
0x61: {  	_ =	shalt  }
0x62: {  	_ =	shalt  }
0x63: {  	_ =	shalt  }
0x64: {  	_ =	shalt  }
0x65: {  	_ =	shalt  }
0x66: {  	_ =	shalt  }
0x67: {  	_ =	shalt  }
0x68: {  	_ =	shalt  }
0x69: {  	_ =	shalt  }
0x6a: {  	_ =	shalt  }
0x6b: {  	_ =	shalt  }
0x6c: {  	_ =	shalt  }
0x6d: {  	_ =	shalt  }
0x6e: {  	_ =	shalt  }
0x6f: {  	_ =	shalt  }
0x70: {  	_ =	shalt  }
0x71: {  	_ =	shalt  }
0x72: {  	_ =	shalt  }
0x73: {  	_ =	shalt  }
0x74: {  	_ =	shalt  }
0x75: {  	_ =	shalt  }
0x76: {  	_ =	shalt  }
0x77: {  	_ =	shalt  }
0x78: {  	_ =	shalt  }
0x79: {  	_ =	shalt  }
0x7a: {  	_ =	shalt  }
0x7b: {  	_ =	shalt  }
0x7c: {  	_ =	shalt  }
0x7d: {  	_ =	shalt  }
0x7e: {  	_ =	shalt  }
0x7f: {  	_ =	shalt  }
0x80: {  	_ =	shalt  }
0x81: {  	_ =	shalt  }
0x82: {  	_ =	shalt  }
0x83: {  	_ =	shalt  }
0x84: {  	_ =	shalt  }
0x85: {  	_ =	shalt  }
0x86: {  	_ =	shalt  }
0x87: {  	_ =	shalt  }
.Lfunc_end0:
.L_simem_size_0:
called_computation_lowered:
.L_overlay_start_0:
0x88: {  	s2 =	sld [smem:$0x3FD9]  }
0x89: {  	s3 =	sld [smem:$0x3FFE];
	_ =	sdelay $0x1  }
0x8a: {  	s1 =	srdreg.scid  }
0x8b: {  	s0 =	sand.u32 $0x1, s1  }
0x8c: {  	s14 =	sshll.u32 s0, $0xA;
	s2 =	sadd.s32 s3, s2  }
0x8d: {  	s2 =	sadd.s32 s2, s14  }
0x8e: {  	[smem:$0x3FC6] =	sst s2  }
0x8f: {  	_ = 	snop  }
0x90: {  	s2 =	sld [smem:$0x3FD0];
	_ =	sdelay $0x2  }
0x91: {  	s15 =	simm.s32 $0xA;
	s4 =	simm.s32 $0x10  }
0x92: {  	[smem:s4], [sflag:s15] =	dma.local [hbm:s2], $0x1  }
0x93: {  	_ =	swait.eq [sflag:s15], $0x1  }
0x94: {  	[sflag:s15] =	ssyncset.done $0x0  }
0x95: {  	[sflag:s15] =	ssyncadd.s32 $0xFFFFFFFF  }
0x96: {  	s16 =	sld [smem:$0x10];
	(tm) =	ssettm $0x1  }
0x97: {  	s17 =	sld [smem:$0x3FFB];
	_ =	sdelay $0x3  }
0x98: {  	_ =	strace s17  }
0x99: {  	s3 =	sld [smem:$0x3FFC];
	_ =	sdelay $0x3  }
0x9a: {  	_ =	strace s3  }
0x9b: {  	s3 =	sld [smem:$0x3FFD];
	_ =	sdelay $0x3  }
0x9c: {  	_ =	strace s3  }
0x9d: {  	_ =	strace $0x8FFFFFFF  }
0x9e: {  	s18 =	sld [smem:$0x3FDB];
	_ =	sdelay $0x1  }
0x9f: {  	s19 =	simm.s32 $_scs_section_size  }
0xa0: {  	s5 =	simm.s32 $_size__tile_overlayer_lowered;
	s6 =	simm.s32 $_tile_overlayer_lowered  }
0xa1: {  	s22 =	simm.s32 $0x1BFF;
	s21 =	sshll.u32 s6, $0x1;
	s3 =	sadd.s32 s19, s18  }
0xa2: {  	s7 =	simm.s32 $0x0;
	s20 =	sshll.u32 s5, $0x1;
	s5 =	sadd.s32 s21, s3  }
0xa3: {  	[timem:s7], [sflag:s22] =	dma.local [hbm:s5], s20  }
0xa4: {  	_ =	swait.ge [sflag:s22], s20  }
0xa5: {  	s4 =	ssub.s32 $0x0, s20;
	[sflag:s22] =	ssyncset.done $0x0  }
0xa6: {  	[sflag:s22] =	ssyncadd.s32 s4;
	_ =	sdelay $0x1  }
0xa7: {  	s23 =	simm.s32 $0x1B8B  }
0xa8: {  	_ =	swait.ge [sflag:s23], $0x1  }
0xa9: {  	[sflag:s23] =	ssyncset.done $0x0  }
0xaa: {  	s25 =	simm.s32 $0x1B8E;
	s24 =	sld [smem:$0x3FFE];
	[sflag:s23] =	ssyncadd.s32 $0xFFFFFFFF  }
0xab: {  	s26 =	simm.s32 $execute0_lowered;
	[smem:$0x3FD2] =	sst s25  }
0xac: {  	s5 =	sshll.u32 s26, $0x1;
	_ =	strace $0x80000046;
	[dreg:$0x1] =	wrdreg $0xFFFFFFFF  }
0xad: {  	s28 =	simm.s32 $_size_execute0_lowered;
	s3 =	sadd.s32 s3, s5;
	[dreg:$0x0] =	wrdreg $0x0  }
0xae: {  	s5 =	sshll.u32 s28, $0x1;
	[dreg:$0x2] =	wrdreg s3  }
0xaf: {  	[dreg:$0x3] =	wrdreg s5  }
0xb0: {  	[dreg:$0x4] =	wrdreg $0xC0  }
0xb1: {  	_ =	task [dreg:s7], $0x5FFFF  }
0xb2: {  	[dreg:$0x1] =	wrdreg $0xFFFFFFFF  }
0xb3: {  	[dreg:$0x0] =	wrdreg $0x60  }
0xb4: {  	[dreg:$0x2] =	wrdreg s24  }
0xb5: {  	[dreg:$0x3] =	wrdreg s16  }
0xb6: {  	[dreg:$0x4] =	wrdreg $0xA1800  }
0xb7: {  	[dreg:$0x5] =	wrdreg $0x9  }
0xb8: {  	_ =	task.clear_ibuf [dreg:s7], $0x6FFFF;
	_ =	strace $0x90000046  }
0xb9: {  	s29 =	simm.s32 $0x9;
	_ =	strace $0x80000048  }
0xba: {  	_ =	swait.ge [sflag:s29], $0x1  }
0xbb: {  	[sflag:s29] =	ssyncadd.s32 $0xFFFFFFFF  }
0xbc: {  	_ =	strace $0x90000048  }
0xbd: {  	_ =	sfence  }
0xbe: {  	s30 =	sld [smem:$0x0];
	_ =	sdelay $0x2  }
0xbf: {  	s31 =	sshll.u32 s1, $0xD;
	s1 =	sshrl.u32 s1, $0x2  }
0xc0: {  	s3 =	sand.u32 $0x4000, s31;
	s1 =	sadd.s32 s1, s30  }
0xc1: {  	s0 =	sor.u32 s3, s0;
	s1 =	sshll.u32 s1, $0x11  }
0xc2: {  	s0 =	sor.u32 s1, s0  }
0xc3: {  	s0 =	sadd.s32 $0x8F2B, s0  }
0xc4: {  	[sflag:s0] =	ssyncadd.remote.s32 $0x1  }
0xc5: {  	_ =	sfence.sel $0xFFFF  }
0xc6: {  	[dreg:$0x0] =	wrdreg $0xFFFFFFFF;
	(pc) =	sbr.abs _section_cstart, $3  }
0xc7: {  	[dreg:$0x1] =	wrdreg $0xFFFFFFFF  }
0xc8: {  	_ =	task.clear_ibuf [dreg:s7], $0x2FFFF;
	_ =	strace $0x9FFFFFFF  }
0xc9: {  	(tm) =	ssettm $0x7FFFFFFF  }
tec
execute0_lowered:
.L_overlay_start_1:
0x0: {  	(tag) =	ssettag $0x1  }
0x1: {  	s5 =	rddreg [dreg:$0x0]  }
0x2: {  	s6 =	rddreg [dreg:$0x1]  }
0x3: {  	s1 =	rddreg [dreg:$0x2];
	s2 =	srdreg.scid  }
0x4: {  	s0 =	rddreg [dreg:$0x3];
	s9 =	stileid.u32  }
0x5: {  	s13 =	simm.s32 $0x4100;
	s14 =	simm.s32 $0x8180;
	s15 =	simm.s32 $0x8100  }
0x6: {  	s16 =	simm.s32 $0x0;
	s8 =	sand.u32 $0x1, s2;
	s2 =	simm.s32 $0x0  }
0x7: {  	s3 =	sshll.u32 s9, $0x9;
	p0 =	sne.s32 s9, $0x0;
	s9 =	simm.s32 $0x2  }
0x8: {  	s4 =	sshll.u32 s8, $0x8;
	[smem:$0x7FF] =	sst s2;
	s11 =	ssub.s32 $0x2, s8  }
0x9: {  	p1 =	seq.s32 s8, $0x1;
	s7 =	sor.u32 s4, s3;
	_ =	strace $0x80000047  }
.Ltmp0:
0xa: {  	s3 =	sadd.s32 $0xE00, s5;
	s12 =	sshrl.u32 s11, $0x1;
	(pc) =	sbr.rel .LBB2_1-.Ltmp0, $4  }
0xb: {  	s4 =	sshll.u32 s7, $0x4;
	s7 =	sshrl.u32 s7, $0x3;
	s11 =	ssub.s32 s11, s12  }
0xc: {  	s12 =	simm.s32 $0x1;
	s10 =	sadd.s32 s4, s5;
	s4 =	sadd.s32 $0x40E00, s5  }
0xd: {  	s5 =	sadd.s32 $0x41200, s5;
	s6 =	sadd.s32 s6, s7;
	s8 =	smax.u32 s11, $0x1  }
0xe: {  	v0 =	vimm.f32 $1.000000000e+00;
	v1 =	vimm.f32 $0.0e+00;
	s11 =	simm.s32 $0x100;
	s7 =	sadd.s32 $0x20E00, s10;
	s10 =	simm.s32 $0x80  }
.LBB2_5:
0xf: {  	[bflag:$0x0] =	sbarrier.arrive $0xFFFF  }
0x10: {  	[spmem:s1] =	stream.indirect.scatter.add.f32 [tilespmem:s15], [sflag:$0x2], $0x1, s2, s10, $0xb8;
	[tilespmem:$0xA380] =	vst v63  }
0x11: {  	_ =	swait.ge [sflag:s9], $0x80  }
0x12: {  	[sflag:s9] =	ssyncset.done $0x0  }
0x13: {  	[sflag:s9] =	ssyncadd.s32 $0xFFFFFF80  }
0x14: {  	[spmem:s1] =	stream.indirect.scatter.add.f32 [tilespmem:s15], [sflag:$0x2], $0x1, s10, s10, $0xb8;
	[tilespmem:$0xA380] =	vst v63  }
0x15: {  	_ =	swait.ge [sflag:s9], $0x80  }
0x16: {  	[sflag:s9] =	ssyncset.done $0x0  }
0x17: {  	[sflag:s9] =	ssyncadd.s32 $0xFFFFFF80  }
0x18: {  	[bflag:$0x0] =	sbarrier.arrive $0xFFFF  }
.LBB2_6:
0x19: {  	s16 =	sadd.s32 $0x1, s16  }
0x1a: {  	p2 =	sne.s32 s16, s8  }
.Ltmp1:
0x1b: {  	_ = 	snop;
	(pc) =	sbr.rel @!p2 .LBB2_7-.Ltmp1, $1  }
0x1c: {  	_ =	sdelay $0x3  }
.LBB2_1:
0x1d: {  	[tilespmem:s2], [sflag:$0x2] =	stream.linear.gather [hbm4b:s6+s2], $0x100, $0x38;
	[tilespmem:$0xA380] =	vst v63  }
0x1e: {  	_ =	swait.ge [sflag:s9], $0x100  }
0x1f: {  	[sflag:s9] =	ssyncset.done $0x0  }
0x20: {  	[sflag:s9] =	ssyncadd.s32 $0xFFFFFF00  }
0x21: {  	[tilespmem:s11], [sflag:$0x1] =	stream.indirect.gather [hbm4b:s3+s10], $0x80, s2, s10, $0xb8;
	[tilespmem:$0xA380] =	vst v63  }
0x22: {  	_ =	swait.ge [sflag:s12], $0x4000  }
0x23: {  	[sflag:s12] =	ssyncset.done $0x0  }
0x24: {  	[sflag:s12] =	ssyncadd.s32 $0xFFFFC000  }
0x25: {  	[tilespmem:s13], [sflag:$0x1] =	stream.indirect.gather [hbm4b:s3+s10], $0x80, s10, s10, $0xb8;
	[tilespmem:$0xA380] =	vst v63  }
0x26: {  	_ =	swait.ge [sflag:s12], $0x4000  }
0x27: {  	[sflag:s12] =	ssyncset.done $0x0  }
0x28: {  	[sflag:s12] =	ssyncadd.s32 $0xFFFFC000  }
0x29: {  	[hbm4b:s7+s2] =	stream.linear.scatter [tilespmem:s11], [sflag:$0x2], $0x8000, $0x38;
	[tilespmem:$0xA380] =	vst v63  }
0x2a: {  	_ =	swait.ge [sflag:s9], $0x8000  }
0x2b: {  	[sflag:s9] =	ssyncset.done $0x0  }
0x2c: {  	[sflag:s9] =	ssyncadd.s32 $0xFFFF8000  }
0x2d: {  	[tilespmem:$0x8100] =	vst v0  }
0x2e: {  	[tilespmem:$0x8110] =	vst v0  }
0x2f: {  	[tilespmem:$0x8120] =	vst v0  }
.Ltmp2:
0x30: {  	[tilespmem:$0x8130] =	vst v0;
	(pc) =	sbr.rel @p0 .LBB2_5-.Ltmp2, $4  }
0x31: {  	[tilespmem:$0x8140] =	vst v0  }
0x32: {  	[tilespmem:$0x8150] =	vst v0  }
0x33: {  	[tilespmem:$0x8160] =	vst v0  }
0x34: {  	[tilespmem:$0x8170] =	vst v0  }
0x35: {  	s17 =	simm.s32 $0x40;
	s18 =	simm.s32 $0x0  }
.LBB2_3:
0x36: {  	p2 =	sne.s32 s17, $0x7FC0;
	[tilespmem:s18+$0x8180] =	vst v1;
	s18 =	smov.u32 s17;
	s17 =	sadd.s32 $0x40, s17  }
.Ltmp3:
0x37: {  	(pc) =	sbr.rel @p2 .LBB2_3-.Ltmp3, $2  }
0x38: {  	_ =	sdelay $0x2  }
0x39: {  	s18 =	sshra.s32 s18, $0x2  }
0x3a: {  	[tilespmem:s18+$0x8180] =	vst v1  }
0x3b: {  	[spmem:s1] =	stream.linear.scatter [tilespmem:s14], [sflag:$0x2], $0x2000, $0x38;
	[tilespmem:$0xA380] =	vst v63  }
0x3c: {  	_ =	swait.ge [sflag:s9], $0x2000  }
0x3d: {  	[sflag:s9] =	ssyncset.done $0x0  }
0x3e: {  	[sflag:s9] =	ssyncadd.s32 $0xFFFFE000  }
0x3f: {  	[bflag:$0x0] =	sbarrier.arrive $0xFFFF  }
0x40: {  	[spmem:s1] =	stream.indirect.scatter.add.f32 [tilespmem:s15], [sflag:$0x2], $0x1, s2, s10, $0xb8;
	[tilespmem:$0xA380] =	vst v63  }
0x41: {  	_ =	swait.ge [sflag:s9], $0x80  }
0x42: {  	[sflag:s9] =	ssyncset.done $0x0  }
0x43: {  	[sflag:s9] =	ssyncadd.s32 $0xFFFFFF80  }
0x44: {  	[spmem:s1] =	stream.indirect.scatter.add.f32 [tilespmem:s15], [sflag:$0x2], $0x1, s10, s10, $0xb8;
	[tilespmem:$0xA380] =	vst v63  }
0x45: {  	_ =	swait.ge [sflag:s9], $0x80  }
0x46: {  	[sflag:s9] =	ssyncset.done $0x0  }
0x47: {  	[sflag:s9] =	ssyncadd.s32 $0xFFFFFF80  }
0x48: {  	[bflag:$0x0] =	sbarrier.arrive $0xFFFF  }
0x49: {  	[tilespmem:s14], [sflag:$0x2] =	stream.linear.gather [spmem:s1], $0x2000, $0x38;
	[tilespmem:$0xA380] =	vst v63  }
0x4a: {  	_ =	swait.ge [sflag:s9], $0x2000  }
0x4b: {  	[sflag:s9] =	ssyncset.done $0x0  }
0x4c: {  	s17 =	simm.s32 @p1 $0x0;
	s18 =	simm.s32 @p1 $0x8180;
	[sflag:s9] =	ssyncadd.s32 $0xFFFFE000  }
0x4d: {  	[hbm4b:s5+s17] =	stream.linear.scatter @p1 [tilespmem:s18], [sflag:$0x2], $0x2000, $0x38;
	[tilespmem:$0xA380] =	vst v63  }
0x4e: {  	s17 =	simm.s32 @p1 $0x2  }
0x4f: {  	_ =	swait.ge @p1 [sflag:s17], $0x2000  }
0x50: {  	[sflag:s17] =	ssyncset.done @p1 $0x0  }
0x51: {  	s18 =	simm.s32 @!p1 $0x8180;
	[sflag:s17] =	ssyncadd.s32 @p1 $0xFFFFE000;
	s17 =	simm.s32 @!p1 $0x0  }
0x52: {  	[hbm4b:s4+s17] =	stream.linear.scatter @!p1 [tilespmem:s18], [sflag:$0x2], $0x2000, $0x38;
	[tilespmem:$0xA380] =	vst v63  }
.Ltmp4:
0x53: {  	_ = 	snop;
	(pc) =	sbr.rel .LBB2_6-.Ltmp4, $4  }
0x54: {  	s17 =	simm.s32 @!p1 $0x2  }
0x55: {  	_ =	swait.ge @!p1 [sflag:s17], $0x2000  }
0x56: {  	[sflag:s17] =	ssyncset.done @!p1 $0x0  }
0x57: {  	[sflag:s17] =	ssyncadd.s32 @!p1 $0xFFFFE000  }
.LBB2_7:
0x58: {  	_ =	sfence.sel $0x180000  }
0x59: {  	[bflag:$0x0] =	sbarrier.arrive $0xFFFF  }
0x5a: {  	_ =	strace $0x90000047  }
0x5b: {  	s0 =	sadd.s32 @!p0 $0x100000, s0;
	[bflag:$0x2] =	sbarrier.arrive $0xFFFF  }
0x5c: {  	[sflag:s0] =	ssyncadd.tile.s32 @!p0 $0x1;
	_ =	shalt  }
.Lfunc_end2:
_tile_overlayer_lowered:
.L_overlay_start_2:
0x5d: {  	(tag) =	ssettag $0x2  }
0x5e: {  	s0 =	rddreg [dreg:$0x0];
	s2 =	stileid.u32  }
0x5f: {  	s1 =	rddreg [dreg:$0x1];
	p0 =	sne.s32 s2, $0x0  }
0x60: {  	s3 =	rddreg [dreg:$0x2];
	[bflag:$0x3] =	sbarrier.arrive $0xFFFF;
	s2 =	simm.s32 @!p0 $0x1C02  }
0x61: {  	[timem:s3], [sflag:s2] =	dma.local @!p0 [hbm:s0], s1  }
0x62: {  	s0 =	simm.s32 @!p0 $0x2  }
0x63: {  	_ =	swait.ge @!p0 [sflag:s0], s1  }
0x64: {  	s1 =	ssub.s32 @!p0 $0x0, s1;
	[sflag:s0] =	ssyncset.done @!p0 $0x0  }
0x65: {  	[sflag:s0] =	ssyncadd.s32 @!p0 s1  }
0x66: {  	[bflag:$0x3] =	sbarrier.arrive $0xFFFF  }
0x67: {  	_ =	shalt  }

</sc_bundles>
